<compile_context>
chip_gen: v7x
topology: tpu7x:2x2x1
jax: 0.10.2.dev20260603
libtpu: 0.0.44.dev20260713+nightly
codegen_flags: <defaults>
</compile_context>

<pallas_src>
import functools

import jax
import jax.numpy as jnp
from jax import lax
from jax.experimental import pallas as pl
from jax.experimental.pallas import tpu as pltpu
from jax.experimental.pallas import tpu_sc as plsc

_MASK_RATIO = 0.75

_NUM_CORES = 2
_NUM_SUBCORES = 16
_NW = _NUM_CORES * _NUM_SUBCORES
_CHUNK_ROWS = 32
_NBUF = 3


def _mask_kernel(noise_ref, mask_ref, *, k):
    bits = jax.lax.bitcast_convert_type(noise_ref[...], jnp.int32)
    d, l = bits.shape

    def body(_, carry):
        lo, hi = carry
        mid = lo + (hi - lo) // 2
        cnt = jnp.sum((bits <= mid).astype(jnp.int32), axis=1, keepdims=True)
        ge = cnt >= k
        return jnp.where(ge, lo, mid + 1), jnp.where(ge, mid, hi)

    lo = jnp.zeros((d, 1), jnp.int32)
    hi = jnp.full((d, 1), 1 << 30, jnp.int32)
    lo, hi = jax.lax.fori_loop(0, 30, body, (lo, hi))
    thresh = lo

    lt = bits < thresh
    eq = bits == thresh
    cnt_lt = jnp.sum(lt.astype(jnp.int32), axis=1, keepdims=True)
    ties_to_keep = (k - cnt_lt).astype(jnp.float32)

    row = jax.lax.broadcasted_iota(jnp.int32, (l, l), 0)
    col = jax.lax.broadcasted_iota(jnp.int32, (l, l), 1)
    tri = (row < col).astype(jnp.float32)
    prefix_eq = jax.lax.dot(eq.astype(jnp.float32), tri,
                            preferred_element_type=jnp.float32)
    keep = lt | (eq & (prefix_eq < ties_to_keep))
    mask_ref[...] = keep.astype(jnp.float32)


def _sc_mul_kernel(x_hbm, mask_hbm, out_hbm, mask4, b0, b1, b2,
                   i0, i1, i2, o0, o1, o2, *, c, l, d_per_w):
    cid = lax.axis_index("c")
    sid = lax.axis_index("s")
    wid = cid * _NUM_SUBCORES + sid
    base_d = wid * d_per_w

    bufs = (b0, b1, b2)
    isems = (i0, i1, i2)
    osems = (o0, o1, o2)

    cc_per_d = c // _CHUNK_ROWS
    nch = d_per_w * cc_per_d

    base8 = (base_d // 8) * 8
    sub = base_d - base8
    pltpu.sync_copy(mask_hbm.at[pl.ds(base8, 8)], mask4)

    def row0(t):
        j, cc = divmod(t, cc_per_d)
        return (base_d + j) * c + cc * _CHUNK_ROWS

    def in_copy(t):
        s = t % _NBUF
        return pltpu.make_async_copy(
            x_hbm.at[pl.ds(row0(t), _CHUNK_ROWS)], bufs[s], isems[s])

    def out_copy(t):
        s = t % _NBUF
        return pltpu.make_async_copy(
            bufs[s], out_hbm.at[pl.ds(row0(t), _CHUNK_ROWS)], osems[s])

    def compute(t):
        s = t % _NBUF
        j = t // cc_per_d
        buf = bufs[s]

        def lg_body(lg, _):
            m = mask4[sub + j, pl.ds(lg * 16, 16)]

            @plsc.parallel_loop(0, _CHUNK_ROWS, 1, unroll=8)
            def _cr_body(cr):
                buf[cr, pl.ds(lg * 16, 16)] = buf[cr, pl.ds(lg * 16, 16)] * m

            return 0

        lax.fori_loop(0, l // 16, lg_body, 0)

    in_copy(0).start()
    in_copy(1).start()
    for t in range(nch):
        in_copy(t).wait()
        compute(t)
        out_copy(t).start()
        if t + 2 < nch:
            if t >= 1:
                out_copy(t - 1).wait()
            in_copy(t + 2).start()
    for t in range(nch - _NBUF, nch):
        out_copy(t).wait()


def kernel(x, noise):
    d, c, h, w = x.shape
    l = h * w
    k = int(l * (1 - _MASK_RATIO))
    x_flat = x.reshape(d * c, l)

    mask = pl.pallas_call(
        lambda nr, mr: _mask_kernel(nr, mr, k=k),
        out_shape=jax.ShapeDtypeStruct((d, l), jnp.float32),
    )(noise)

    d_per_w = d // _NW
    mesh = plsc.VectorSubcoreMesh(
        core_axis_name="c", subcore_axis_name="s",
        num_cores=_NUM_CORES, num_subcores=_NUM_SUBCORES)
    sc_mul = pl.kernel(
        functools.partial(_sc_mul_kernel, c=c, l=l, d_per_w=d_per_w),
        out_type=jax.ShapeDtypeStruct((d * c, l), jnp.float32),
        mesh=mesh,
        compiler_params=pltpu.CompilerParams(use_tc_tiling_on_sc=True),
        scratch_types=[
            pltpu.VMEM((8, l), jnp.float32),
            pltpu.VMEM((_CHUNK_ROWS, l), jnp.float32),
            pltpu.VMEM((_CHUNK_ROWS, l), jnp.float32),
            pltpu.VMEM((_CHUNK_ROWS, l), jnp.float32),
            pltpu.SemaphoreType.DMA,
            pltpu.SemaphoreType.DMA,
            pltpu.SemaphoreType.DMA,
            pltpu.SemaphoreType.DMA,
            pltpu.SemaphoreType.DMA,
            pltpu.SemaphoreType.DMA,
        ],
    )
    out_flat = sc_mul(x_flat, mask)
    return out_flat.reshape(d, c, h, w)

# --- scband reference (transcript-rebuilt; emitter-appended) ---
"""Pipeline reference for scband-mask-19928648253750 (READ-ONLY COPY).

The authoritative reference and input builder live on the scoring server;
editing this copy changes nothing except your own understanding.
"""

import jax, jax.numpy as jnp
import numpy as np

MASK_RATIO = 0.75

def setup_inputs(seed: int = 0) -> dict:
    key = jax.random.key(seed)
    k1, k2 = jax.random.split(key)
    x = jax.random.normal(k1, (128, 96, 32, 32), dtype=jnp.float32)
    # noise drives the random shuffle (torch.rand inside forward); materialized here for determinism
    noise = jax.random.uniform(k2, (128, 32 * 32), dtype=jnp.float32)
    return {"x": x, "noise": noise}

def reference(x, noise):
    D, C, H, W = x.shape
    L = H * W
    xt = x.reshape(D, C, L).transpose(0, 2, 1)  # [D, L, C]
    len_keep = int(L * (1 - MASK_RATIO))
    ids_shuffle = jnp.argsort(noise, axis=1)
    ids_restore = jnp.argsort(ids_shuffle, axis=1)
    ids_keep = ids_shuffle[:, :len_keep]
    idx_keep = jnp.broadcast_to(ids_keep[:, :, None], (D, len_keep, C))
    x_masked = jnp.take_along_axis(xt, idx_keep, axis=1)
    mask_tokens = jnp.zeros((D, L - len_keep, C), dtype=xt.dtype)
    x_ = jnp.concatenate([x_masked, mask_tokens], axis=1)
    idx_restore = jnp.broadcast_to(ids_restore[:, :, None], (D, L, C))
    out = jnp.take_along_axis(x_, idx_restore, axis=1)  # [D, L, C]
    out = out.transpose(0, 2, 1).reshape(D, C, H, W)
    return out

if __name__ == "__main__":
    import jax
    _d = setup_inputs()
    print(jax.jit(kernel)(*tuple(_d.values())))

</pallas_src>

<mosaic_0001>
#map = affine_map<(d0, d1) -> (0, 0)>
module attributes {stable_mosaic.version = 14 : i64} {
  func.func @_sc_mul_kernel(%arg0: i32, %arg1: i32, %arg2: memref<12288x1024xf32, #tpu.memory_space<hbm>>, %arg3: memref<128x1024xf32, #tpu.memory_space<hbm>>, %arg4: memref<12288x1024xf32, #tpu.memory_space<hbm>>, %arg5: memref<8x1024xf32, #tpu.memory_space<vmem>>, %arg6: memref<32x1024xf32, #tpu.memory_space<vmem>>, %arg7: memref<32x1024xf32, #tpu.memory_space<vmem>>, %arg8: memref<32x1024xf32, #tpu.memory_space<vmem>>, %arg9: memref<!tpu.dma_semaphore, #tpu.memory_space<semaphore_mem>>, %arg10: memref<!tpu.dma_semaphore, #tpu.memory_space<semaphore_mem>>, %arg11: memref<!tpu.dma_semaphore, #tpu.memory_space<semaphore_mem>>, %arg12: memref<!tpu.dma_semaphore, #tpu.memory_space<semaphore_mem>>, %arg13: memref<!tpu.dma_semaphore, #tpu.memory_space<semaphore_mem>>, %arg14: memref<!tpu.dma_semaphore, #tpu.memory_space<semaphore_mem>>) attributes {dimension_semantics = [#tpu.dimension_semantics<core_parallel>, #tpu.dimension_semantics<subcore_parallel>], iteration_bounds = array<i64: 2, 16>, scalar_prefetch = 0 : i64, scratch_operands = 10 : i64, tpu.core_type = #tpu.core_type<sc_vector_subcore>, window_params = [{transform_indices = #map}, {transform_indices = #map}, {transform_indices = #map}]} {
    %mul3A = arith.constant 16 : i32
    %mul3A_0 = arith.muli %arg0, %mul3A : i32
    %add3A = arith.addi %mul3A_0, %arg1 : i32
    %mul3A_1 = arith.constant 4 : i32
    %mul3A_2 = arith.muli %add3A, %mul3A_1 : i32
    %jit3A = arith.constant 8 : i32
    %div3A = arith.divsi %mul3A_2, %jit3A : i32
    %sign3A = arith.constant 0 : i32
    %sign3A_3 = arith.cmpi sgt, %mul3A_2, %sign3A : i32
    %sign3A_4 = arith.extui %sign3A_3 : i1 to i32
    %sign3A_5 = arith.constant 0 : i32
    %sign3A_6 = arith.cmpi slt, %mul3A_2, %sign3A_5 : i32
    %sign3A_7 = arith.extui %sign3A_6 : i1 to i32
    %sign3A_8 = arith.subi %sign3A_4, %sign3A_7 : i32
    %sign3A_9 = arith.constant 0 : i32
    %sign3A_10 = arith.cmpi sgt, %jit3A, %sign3A_9 : i32
    %sign3A_11 = arith.extui %sign3A_10 : i1 to i32
    %sign3A_12 = arith.constant 0 : i32
    %sign3A_13 = arith.cmpi slt, %jit3A, %sign3A_12 : i32
    %sign3A_14 = arith.extui %sign3A_13 : i1 to i32
    %sign3A_15 = arith.subi %sign3A_11, %sign3A_14 : i32
    %ne3A = arith.cmpi ne, %sign3A_8, %sign3A_15 : i32
    %rem3A = arith.remsi %mul3A_2, %jit3A : i32
    %ne3A_16 = arith.constant 0 : i32
    %ne3A_17 = arith.cmpi ne, %rem3A, %ne3A_16 : i32
    %and3A = arith.andi %ne3A, %ne3A_17 : i1
    %sub3A = arith.constant 1 : i32
    %sub3A_18 = arith.subi %div3A, %sub3A : i32
    %select_n3A = arith.select %and3A, %sub3A_18, %div3A : i32
    %mul3A_19 = arith.constant 8 : i32
    %mul3A_20 = arith.muli %select_n3A, %mul3A_19 : i32
    %sub3A_21 = arith.subi %mul3A_2, %mul3A_20 : i32
    "tpu.region"() ({
      %run_scoped3A = tpu.sem_alloc : memref<!tpu.dma_semaphore, #tpu.memory_space<semaphore_mem>>
      %dma_start3A_583 = arith.constant 0 : i32
      %dma_start3A_584 = tpu.memref_slice %arg3[%mul3A_20, %dma_start3A_583] : memref<128x1024xf32, #tpu.memory_space<hbm>> -> memref<8x1024xf32, #tpu.memory_space<hbm>>
      %dma_start3A_585 = arith.constant 0 : i32
      %dma_start3A_586 = tpu.memref_slice %arg3[%mul3A_20, %dma_start3A_585] : memref<128x1024xf32, #tpu.memory_space<hbm>> -> memref<8x1024xf32, #tpu.memory_space<hbm>>
      tpu.enqueue_dma source(%dma_start3A_586 : memref<8x1024xf32, #tpu.memory_space<hbm>>) target(%arg5 : memref<8x1024xf32, #tpu.memory_space<vmem>>) target_semaphore(%run_scoped3A : memref<!tpu.dma_semaphore, #tpu.memory_space<semaphore_mem>>)
      %dma_wait3A_587 = arith.constant 0 : i32
      %dma_wait3A_588 = tpu.memref_slice %arg3[%mul3A_20, %dma_wait3A_587] : memref<128x1024xf32, #tpu.memory_space<hbm>> -> memref<8x1024xf32, #tpu.memory_space<hbm>>
      %dma_wait3A_589 = arith.constant 0 : i32
      %dma_wait3A_590 = tpu.memref_slice %arg3[%mul3A_20, %dma_wait3A_589] : memref<128x1024xf32, #tpu.memory_space<hbm>> -> memref<8x1024xf32, #tpu.memory_space<hbm>>
      tpu.wait_dma2 semaphore(%run_scoped3A : memref<!tpu.dma_semaphore, #tpu.memory_space<semaphore_mem>>) src(%dma_wait3A_590 : memref<8x1024xf32, #tpu.memory_space<hbm>>) dst(%arg5 : memref<8x1024xf32, #tpu.memory_space<vmem>>)
      tpu.yield
    }) : () -> ()
    %add3A_22 = arith.constant 0 : i32
    %add3A_23 = arith.addi %mul3A_2, %add3A_22 : i32
    %mul3A_24 = arith.constant 96 : i32
    %mul3A_25 = arith.muli %add3A_23, %mul3A_24 : i32
    %add3A_26 = arith.constant 0 : i32
    %add3A_27 = arith.addi %mul3A_25, %add3A_26 : i32
    %dma_start3A = arith.constant 0 : i32
    %dma_start3A_28 = tpu.memref_slice %arg2[%add3A_27, %dma_start3A] : memref<12288x1024xf32, #tpu.memory_space<hbm>> -> memref<32x1024xf32, #tpu.memory_space<hbm>>
    %dma_start3A_29 = arith.constant 0 : i32
    %dma_start3A_30 = tpu.memref_slice %arg2[%add3A_27, %dma_start3A_29] : memref<12288x1024xf32, #tpu.memory_space<hbm>> -> memref<32x1024xf32, #tpu.memory_space<hbm>>
    tpu.enqueue_dma source(%dma_start3A_30 : memref<32x1024xf32, #tpu.memory_space<hbm>>) target(%arg6 : memref<32x1024xf32, #tpu.memory_space<vmem>>) target_semaphore(%arg9 : memref<!tpu.dma_semaphore, #tpu.memory_space<semaphore_mem>>)
    %add3A_31 = arith.constant 0 : i32
    %add3A_32 = arith.addi %mul3A_2, %add3A_31 : i32
    %mul3A_33 = arith.constant 96 : i32
    %mul3A_34 = arith.muli %add3A_32, %mul3A_33 : i32
    %add3A_35 = arith.constant 32 : i32
    %add3A_36 = arith.addi %mul3A_34, %add3A_35 : i32
    %dma_start3A_37 = arith.constant 0 : i32
    %dma_start3A_38 = tpu.memref_slice %arg2[%add3A_36, %dma_start3A_37] : memref<12288x1024xf32, #tpu.memory_space<hbm>> -> memref<32x1024xf32, #tpu.memory_space<hbm>>
    %dma_start3A_39 = arith.constant 0 : i32
    %dma_start3A_40 = tpu.memref_slice %arg2[%add3A_36, %dma_start3A_39] : memref<12288x1024xf32, #tpu.memory_space<hbm>> -> memref<32x1024xf32, #tpu.memory_space<hbm>>
    tpu.enqueue_dma source(%dma_start3A_40 : memref<32x1024xf32, #tpu.memory_space<hbm>>) target(%arg7 : memref<32x1024xf32, #tpu.memory_space<vmem>>) target_semaphore(%arg10 : memref<!tpu.dma_semaphore, #tpu.memory_space<semaphore_mem>>)
    %add3A_41 = arith.constant 0 : i32
    %add3A_42 = arith.addi %mul3A_2, %add3A_41 : i32
    %mul3A_43 = arith.constant 96 : i32
    %mul3A_44 = arith.muli %add3A_42, %mul3A_43 : i32
    %add3A_45 = arith.constant 0 : i32
    %add3A_46 = arith.addi %mul3A_44, %add3A_45 : i32
    %dma_wait3A = arith.constant 0 : i32
    %dma_wait3A_47 = tpu.memref_slice %arg2[%add3A_46, %dma_wait3A] : memref<12288x1024xf32, #tpu.memory_space<hbm>> -> memref<32x1024xf32, #tpu.memory_space<hbm>>
    %dma_wait3A_48 = arith.constant 0 : i32
    %dma_wait3A_49 = tpu.memref_slice %arg2[%add3A_46, %dma_wait3A_48] : memref<12288x1024xf32, #tpu.memory_space<hbm>> -> memref<32x1024xf32, #tpu.memory_space<hbm>>
    tpu.wait_dma2 semaphore(%arg9 : memref<!tpu.dma_semaphore, #tpu.memory_space<semaphore_mem>>) src(%dma_wait3A_49 : memref<32x1024xf32, #tpu.memory_space<hbm>>) dst(%arg6 : memref<32x1024xf32, #tpu.memory_space<vmem>>)
    %scan3A = arith.constant 0 : i32
    %scan3A_50 = arith.constant 0 : i32
    %scan3A_51 = arith.constant 64 : i32
    %scan3A_52 = arith.addi %scan3A_50, %scan3A_51 : i32
    %scan3A_53 = arith.constant 1 : i32
    %scan3A_54 = scf.for %scan3A_583 = %scan3A_50 to %scan3A_52 step %scan3A_53 iter_args(%scan3A_584 = %scan3A) -> (i32)  : i32 {
      %add3A_585 = arith.constant 0 : i32
      %add3A_586 = arith.addi %sub3A_21, %add3A_585 : i32
      %mul3A_587 = arith.constant 16 : i32
      %mul3A_588 = arith.muli %scan3A_583, %mul3A_587 : i32
      %get3A = arith.index_cast %add3A_586 : i32 to index
      %get3A_589 = arith.index_cast %mul3A_588 : i32 to index
      %get3A_590 = tpu.vector_load %arg5[%get3A, %get3A_589] {strides = array<i32>} : memref<8x1024xf32, #tpu.memory_space<vmem>>, vector<1x16xf32>,
      %get3A_591 = vector.shape_cast %get3A_590 : vector<1x16xf32> to vector<16xf32>
      %parallel_loop3A = arith.constant 0 : i32
      %parallel_loop3A_592 = arith.constant 32 : i32
      %parallel_loop3A_593 = arith.constant 1 : i32
      scf.for %parallel_loop3A_595 = %parallel_loop3A to %parallel_loop3A_592 step %parallel_loop3A_593  : i32 {
        %parallel_loop3A_596 = arith.constant 16 : i32
        %parallel_loop3A_597 = arith.muli %scan3A_583, %parallel_loop3A_596 : i32
        %parallel_loop3A_598 = arith.index_cast %parallel_loop3A_595 : i32 to index
        %parallel_loop3A_599 = arith.index_cast %parallel_loop3A_597 : i32 to index
        %parallel_loop3A_600 = tpu.vector_load %arg6[%parallel_loop3A_598, %parallel_loop3A_599] {strides = array<i32>} : memref<32x1024xf32, #tpu.memory_space<vmem>>, vector<1x16xf32>,
        %parallel_loop3A_601 = vector.shape_cast %parallel_loop3A_600 : vector<1x16xf32> to vector<16xf32>
        %parallel_loop3A_602 = arith.mulf %parallel_loop3A_601, %get3A_591 : vector<16xf32>
        %parallel_loop3A_603 = arith.constant 16 : i32
        %parallel_loop3A_604 = arith.muli %scan3A_583, %parallel_loop3A_603 : i32
        %parallel_loop3A_605 = arith.index_cast %parallel_loop3A_595 : i32 to index
        %parallel_loop3A_606 = arith.index_cast %parallel_loop3A_604 : i32 to index
        %parallel_loop3A_607 = tpu.vector_load %arg6[%parallel_loop3A_605, %parallel_loop3A_606] {strides = array<i32>} : memref<32x1024xf32, #tpu.memory_space<vmem>>, vector<1x16xf32>,
        %parallel_loop3A_608 = vector.shape_cast %parallel_loop3A_607 : vector<1x16xf32> to vector<16xf32>
        %parallel_loop3A_609 = vector.shape_cast %parallel_loop3A_602 : vector<16xf32> to vector<1x16xf32>
        tpu.vector_store %arg6[%parallel_loop3A_605, %parallel_loop3A_606], %parallel_loop3A_609 {strides = array<i32>} : memref<32x1024xf32, #tpu.memory_space<vmem>>, vector<1x16xf32>,
      } {sc.loop_unroll_factor = 8 : i64, sc.parallel_access}
      %scan3A_594 = arith.constant 0 : i32
      scf.yield %scan3A_594 : i32
    }
    %scan3A_55 = arith.constant 64 : i32
    %add3A_56 = arith.constant 0 : i32
    %add3A_57 = arith.addi %mul3A_2, %add3A_56 : i32
    %mul3A_58 = arith.constant 96 : i32
    %mul3A_59 = arith.muli %add3A_57, %mul3A_58 : i32
    %add3A_60 = arith.constant 0 : i32
    %add3A_61 = arith.addi %mul3A_59, %add3A_60 : i32
    %dma_start3A_62 = arith.constant 0 : i32
    %dma_start3A_63 = tpu.memref_slice %arg4[%add3A_61, %dma_start3A_62] : memref<12288x1024xf32, #tpu.memory_space<hbm>> -> memref<32x1024xf32, #tpu.memory_space<hbm>>
    %dma_start3A_64 = arith.constant 0 : i32
    %dma_start3A_65 = tpu.memref_slice %arg4[%add3A_61, %dma_start3A_64] : memref<12288x1024xf32, #tpu.memory_space<hbm>> -> memref<32x1024xf32, #tpu.memory_space<hbm>>
    tpu.enqueue_dma source(%arg6 : memref<32x1024xf32, #tpu.memory_space<vmem>>) target(%dma_start3A_65 : memref<32x1024xf32, #tpu.memory_space<hbm>>) target_semaphore(%arg12 : memref<!tpu.dma_semaphore, #tpu.memory_space<semaphore_mem>>)
    %add3A_66 = arith.constant 0 : i32
    %add3A_67 = arith.addi %mul3A_2, %add3A_66 : i32
    %mul3A_68 = arith.constant 96 : i32
    %mul3A_69 = arith.muli %add3A_67, %mul3A_68 : i32
    %add3A_70 = arith.constant 64 : i32
    %add3A_71 = arith.addi %mul3A_69, %add3A_70 : i32
    %dma_start3A_72 = arith.constant 0 : i32
    %dma_start3A_73 = tpu.memref_slice %arg2[%add3A_71, %dma_start3A_72] : memref<12288x1024xf32, #tpu.memory_space<hbm>> -> memref<32x1024xf32, #tpu.memory_space<hbm>>
    %dma_start3A_74 = arith.constant 0 : i32
    %dma_start3A_75 = tpu.memref_slice %arg2[%add3A_71, %dma_start3A_74] : memref<12288x1024xf32, #tpu.memory_space<hbm>> -> memref<32x1024xf32, #tpu.memory_space<hbm>>
    tpu.enqueue_dma source(%dma_start3A_75 : memref<32x1024xf32, #tpu.memory_space<hbm>>) target(%arg8 : memref<32x1024xf32, #tpu.memory_space<vmem>>) target_semaphore(%arg11 : memref<!tpu.dma_semaphore, #tpu.memory_space<semaphore_mem>>)
    %add3A_76 = arith.constant 0 : i32
    %add3A_77 = arith.addi %mul3A_2, %add3A_76 : i32
    %mul3A_78 = arith.constant 96 : i32
    %mul3A_79 = arith.muli %add3A_77, %mul3A_78 : i32
    %add3A_80 = arith.constant 32 : i32
    %add3A_81 = arith.addi %mul3A_79, %add3A_80 : i32
    %dma_wait3A_82 = arith.constant 0 : i32
    %dma_wait3A_83 = tpu.memref_slice %arg2[%add3A_81, %dma_wait3A_82] : memref<12288x1024xf32, #tpu.memory_space<hbm>> -> memref<32x1024xf32, #tpu.memory_space<hbm>>
    %dma_wait3A_84 = arith.constant 0 : i32
    %dma_wait3A_85 = tpu.memref_slice %arg2[%add3A_81, %dma_wait3A_84] : memref<12288x1024xf32, #tpu.memory_space<hbm>> -> memref<32x1024xf32, #tpu.memory_space<hbm>>
    tpu.wait_dma2 semaphore(%arg10 : memref<!tpu.dma_semaphore, #tpu.memory_space<semaphore_mem>>) src(%dma_wait3A_85 : memref<32x1024xf32, #tpu.memory_space<hbm>>) dst(%arg7 : memref<32x1024xf32, #tpu.memory_space<vmem>>)
    %scan3A_86 = arith.constant 0 : i32
    %scan3A_87 = arith.constant 0 : i32
    %scan3A_88 = arith.constant 64 : i32
    %scan3A_89 = arith.addi %scan3A_87, %scan3A_88 : i32
    %scan3A_90 = arith.constant 1 : i32
    %scan3A_91 = scf.for %scan3A_583 = %scan3A_87 to %scan3A_89 step %scan3A_90 iter_args(%scan3A_584 = %scan3A_86) -> (i32)  : i32 {
      %add3A_585 = arith.constant 0 : i32
      %add3A_586 = arith.addi %sub3A_21, %add3A_585 : i32
      %mul3A_587 = arith.constant 16 : i32
      %mul3A_588 = arith.muli %scan3A_583, %mul3A_587 : i32
      %get3A = arith.index_cast %add3A_586 : i32 to index
      %get3A_589 = arith.index_cast %mul3A_588 : i32 to index
      %get3A_590 = tpu.vector_load %arg5[%get3A, %get3A_589] {strides = array<i32>} : memref<8x1024xf32, #tpu.memory_space<vmem>>, vector<1x16xf32>,
      %get3A_591 = vector.shape_cast %get3A_590 : vector<1x16xf32> to vector<16xf32>
      %parallel_loop3A = arith.constant 0 : i32
      %parallel_loop3A_592 = arith.constant 32 : i32
      %parallel_loop3A_593 = arith.constant 1 : i32
      scf.for %parallel_loop3A_595 = %parallel_loop3A to %parallel_loop3A_592 step %parallel_loop3A_593  : i32 {
        %parallel_loop3A_596 = arith.constant 16 : i32
        %parallel_loop3A_597 = arith.muli %scan3A_583, %parallel_loop3A_596 : i32
        %parallel_loop3A_598 = arith.index_cast %parallel_loop3A_595 : i32 to index
        %parallel_loop3A_599 = arith.index_cast %parallel_loop3A_597 : i32 to index
        %parallel_loop3A_600 = tpu.vector_load %arg7[%parallel_loop3A_598, %parallel_loop3A_599] {strides = array<i32>} : memref<32x1024xf32, #tpu.memory_space<vmem>>, vector<1x16xf32>,
        %parallel_loop3A_601 = vector.shape_cast %parallel_loop3A_600 : vector<1x16xf32> to vector<16xf32>
        %parallel_loop3A_602 = arith.mulf %parallel_loop3A_601, %get3A_591 : vector<16xf32>
        %parallel_loop3A_603 = arith.constant 16 : i32
        %parallel_loop3A_604 = arith.muli %scan3A_583, %parallel_loop3A_603 : i32
        %parallel_loop3A_605 = arith.index_cast %parallel_loop3A_595 : i32 to index
        %parallel_loop3A_606 = arith.index_cast %parallel_loop3A_604 : i32 to index
        %parallel_loop3A_607 = tpu.vector_load %arg7[%parallel_loop3A_605, %parallel_loop3A_606] {strides = array<i32>} : memref<32x1024xf32, #tpu.memory_space<vmem>>, vector<1x16xf32>,
        %parallel_loop3A_608 = vector.shape_cast %parallel_loop3A_607 : vector<1x16xf32> to vector<16xf32>
        %parallel_loop3A_609 = vector.shape_cast %parallel_loop3A_602 : vector<16xf32> to vector<1x16xf32>
        tpu.vector_store %arg7[%parallel_loop3A_605, %parallel_loop3A_606], %parallel_loop3A_609 {strides = array<i32>} : memref<32x1024xf32, #tpu.memory_space<vmem>>, vector<1x16xf32>,
      } {sc.loop_unroll_factor = 8 : i64, sc.parallel_access}
      %scan3A_594 = arith.constant 0 : i32
      scf.yield %scan3A_594 : i32
    }
    %scan3A_92 = arith.constant 64 : i32
    %add3A_93 = arith.constant 0 : i32
    %add3A_94 = arith.addi %mul3A_2, %add3A_93 : i32
    %mul3A_95 = arith.constant 96 : i32
    %mul3A_96 = arith.muli %add3A_94, %mul3A_95 : i32
    %add3A_97 = arith.constant 32 : i32
    %add3A_98 = arith.addi %mul3A_96, %add3A_97 : i32
    %dma_start3A_99 = arith.constant 0 : i32
    %dma_start3A_100 = tpu.memref_slice %arg4[%add3A_98, %dma_start3A_99] : memref<12288x1024xf32, #tpu.memory_space<hbm>> -> memref<32x1024xf32, #tpu.memory_space<hbm>>
    %dma_start3A_101 = arith.constant 0 : i32
    %dma_start3A_102 = tpu.memref_slice %arg4[%add3A_98, %dma_start3A_101] : memref<12288x1024xf32, #tpu.memory_space<hbm>> -> memref<32x1024xf32, #tpu.memory_space<hbm>>
    tpu.enqueue_dma source(%arg7 : memref<32x1024xf32, #tpu.memory_space<vmem>>) target(%dma_start3A_102 : memref<32x1024xf32, #tpu.memory_space<hbm>>) target_semaphore(%arg13 : memref<!tpu.dma_semaphore, #tpu.memory_space<semaphore_mem>>)
    %add3A_103 = arith.constant 0 : i32
    %add3A_104 = arith.addi %mul3A_2, %add3A_103 : i32
    %mul3A_105 = arith.constant 96 : i32
    %mul3A_106 = arith.muli %add3A_104, %mul3A_105 : i32
    %add3A_107 = arith.constant 0 : i32
    %add3A_108 = arith.addi %mul3A_106, %add3A_107 : i32
    %dma_wait3A_109 = arith.constant 0 : i32
    %dma_wait3A_110 = tpu.memref_slice %arg4[%add3A_108, %dma_wait3A_109] : memref<12288x1024xf32, #tpu.memory_space<hbm>> -> memref<32x1024xf32, #tpu.memory_space<hbm>>
    %dma_wait3A_111 = arith.constant 0 : i32
    %dma_wait3A_112 = tpu.memref_slice %arg4[%add3A_108, %dma_wait3A_111] : memref<12288x1024xf32, #tpu.memory_space<hbm>> -> memref<32x1024xf32, #tpu.memory_space<hbm>>
    tpu.wait_dma2 semaphore(%arg12 : memref<!tpu.dma_semaphore, #tpu.memory_space<semaphore_mem>>) src(%arg6 : memref<32x1024xf32, #tpu.memory_space<vmem>>) dst(%dma_wait3A_112 : memref<32x1024xf32, #tpu.memory_space<hbm>>)
    %add3A_113 = arith.constant 1 : i32
    %add3A_114 = arith.addi %mul3A_2, %add3A_113 : i32
    %mul3A_115 = arith.constant 96 : i32
    %mul3A_116 = arith.muli %add3A_114, %mul3A_115 : i32
    %add3A_117 = arith.constant 0 : i32
    %add3A_118 = arith.addi %mul3A_116, %add3A_117 : i32
    %dma_start3A_119 = arith.constant 0 : i32
    %dma_start3A_120 = tpu.memref_slice %arg2[%add3A_118, %dma_start3A_119] : memref<12288x1024xf32, #tpu.memory_space<hbm>> -> memref<32x1024xf32, #tpu.memory_space<hbm>>
    %dma_start3A_121 = arith.constant 0 : i32
    %dma_start3A_122 = tpu.memref_slice %arg2[%add3A_118, %dma_start3A_121] : memref<12288x1024xf32, #tpu.memory_space<hbm>> -> memref<32x1024xf32, #tpu.memory_space<hbm>>
    tpu.enqueue_dma source(%dma_start3A_122 : memref<32x1024xf32, #tpu.memory_space<hbm>>) target(%arg6 : memref<32x1024xf32, #tpu.memory_space<vmem>>) target_semaphore(%arg9 : memref<!tpu.dma_semaphore, #tpu.memory_space<semaphore_mem>>)
    %add3A_123 = arith.constant 0 : i32
    %add3A_124 = arith.addi %mul3A_2, %add3A_123 : i32
    %mul3A_125 = arith.constant 96 : i32
    %mul3A_126 = arith.muli %add3A_124, %mul3A_125 : i32
    %add3A_127 = arith.constant 64 : i32
    %add3A_128 = arith.addi %mul3A_126, %add3A_127 : i32
    %dma_wait3A_129 = arith.constant 0 : i32
    %dma_wait3A_130 = tpu.memref_slice %arg2[%add3A_128, %dma_wait3A_129] : memref<12288x1024xf32, #tpu.memory_space<hbm>> -> memref<32x1024xf32, #tpu.memory_space<hbm>>
    %dma_wait3A_131 = arith.constant 0 : i32
    %dma_wait3A_132 = tpu.memref_slice %arg2[%add3A_128, %dma_wait3A_131] : memref<12288x1024xf32, #tpu.memory_space<hbm>> -> memref<32x1024xf32, #tpu.memory_space<hbm>>
    tpu.wait_dma2 semaphore(%arg11 : memref<!tpu.dma_semaphore, #tpu.memory_space<semaphore_mem>>) src(%dma_wait3A_132 : memref<32x1024xf32, #tpu.memory_space<hbm>>) dst(%arg8 : memref<32x1024xf32, #tpu.memory_space<vmem>>)
    %scan3A_133 = arith.constant 0 : i32
    %scan3A_134 = arith.constant 0 : i32
    %scan3A_135 = arith.constant 64 : i32
    %scan3A_136 = arith.addi %scan3A_134, %scan3A_135 : i32
    %scan3A_137 = arith.constant 1 : i32
    %scan3A_138 = scf.for %scan3A_583 = %scan3A_134 to %scan3A_136 step %scan3A_137 iter_args(%scan3A_584 = %scan3A_133) -> (i32)  : i32 {
      %add3A_585 = arith.constant 0 : i32
      %add3A_586 = arith.addi %sub3A_21, %add3A_585 : i32
      %mul3A_587 = arith.constant 16 : i32
      %mul3A_588 = arith.muli %scan3A_583, %mul3A_587 : i32
      %get3A = arith.index_cast %add3A_586 : i32 to index
      %get3A_589 = arith.index_cast %mul3A_588 : i32 to index
      %get3A_590 = tpu.vector_load %arg5[%get3A, %get3A_589] {strides = array<i32>} : memref<8x1024xf32, #tpu.memory_space<vmem>>, vector<1x16xf32>,
      %get3A_591 = vector.shape_cast %get3A_590 : vector<1x16xf32> to vector<16xf32>
      %parallel_loop3A = arith.constant 0 : i32
      %parallel_loop3A_592 = arith.constant 32 : i32
      %parallel_loop3A_593 = arith.constant 1 : i32
      scf.for %parallel_loop3A_595 = %parallel_loop3A to %parallel_loop3A_592 step %parallel_loop3A_593  : i32 {
        %parallel_loop3A_596 = arith.constant 16 : i32
        %parallel_loop3A_597 = arith.muli %scan3A_583, %parallel_loop3A_596 : i32
        %parallel_loop3A_598 = arith.index_cast %parallel_loop3A_595 : i32 to index
        %parallel_loop3A_599 = arith.index_cast %parallel_loop3A_597 : i32 to index
        %parallel_loop3A_600 = tpu.vector_load %arg8[%parallel_loop3A_598, %parallel_loop3A_599] {strides = array<i32>} : memref<32x1024xf32, #tpu.memory_space<vmem>>, vector<1x16xf32>,
        %parallel_loop3A_601 = vector.shape_cast %parallel_loop3A_600 : vector<1x16xf32> to vector<16xf32>
        %parallel_loop3A_602 = arith.mulf %parallel_loop3A_601, %get3A_591 : vector<16xf32>
        %parallel_loop3A_603 = arith.constant 16 : i32
        %parallel_loop3A_604 = arith.muli %scan3A_583, %parallel_loop3A_603 : i32
        %parallel_loop3A_605 = arith.index_cast %parallel_loop3A_595 : i32 to index
        %parallel_loop3A_606 = arith.index_cast %parallel_loop3A_604 : i32 to index
        %parallel_loop3A_607 = tpu.vector_load %arg8[%parallel_loop3A_605, %parallel_loop3A_606] {strides = array<i32>} : memref<32x1024xf32, #tpu.memory_space<vmem>>, vector<1x16xf32>,
        %parallel_loop3A_608 = vector.shape_cast %parallel_loop3A_607 : vector<1x16xf32> to vector<16xf32>
        %parallel_loop3A_609 = vector.shape_cast %parallel_loop3A_602 : vector<16xf32> to vector<1x16xf32>
        tpu.vector_store %arg8[%parallel_loop3A_605, %parallel_loop3A_606], %parallel_loop3A_609 {strides = array<i32>} : memref<32x1024xf32, #tpu.memory_space<vmem>>, vector<1x16xf32>,
      } {sc.loop_unroll_factor = 8 : i64, sc.parallel_access}
      %scan3A_594 = arith.constant 0 : i32
      scf.yield %scan3A_594 : i32
    }
    %scan3A_139 = arith.constant 64 : i32
    %add3A_140 = arith.constant 0 : i32
    %add3A_141 = arith.addi %mul3A_2, %add3A_140 : i32
    %mul3A_142 = arith.constant 96 : i32
    %mul3A_143 = arith.muli %add3A_141, %mul3A_142 : i32
    %add3A_144 = arith.constant 64 : i32
    %add3A_145 = arith.addi %mul3A_143, %add3A_144 : i32
    %dma_start3A_146 = arith.constant 0 : i32
    %dma_start3A_147 = tpu.memref_slice %arg4[%add3A_145, %dma_start3A_146] : memref<12288x1024xf32, #tpu.memory_space<hbm>> -> memref<32x1024xf32, #tpu.memory_space<hbm>>
    %dma_start3A_148 = arith.constant 0 : i32
    %dma_start3A_149 = tpu.memref_slice %arg4[%add3A_145, %dma_start3A_148] : memref<12288x1024xf32, #tpu.memory_space<hbm>> -> memref<32x1024xf32, #tpu.memory_space<hbm>>
    tpu.enqueue_dma source(%arg8 : memref<32x1024xf32, #tpu.memory_space<vmem>>) target(%dma_start3A_149 : memref<32x1024xf32, #tpu.memory_space<hbm>>) target_semaphore(%arg14 : memref<!tpu.dma_semaphore, #tpu.memory_space<semaphore_mem>>)
    %add3A_150 = arith.constant 0 : i32
    %add3A_151 = arith.addi %mul3A_2, %add3A_150 : i32
    %mul3A_152 = arith.constant 96 : i32
    %mul3A_153 = arith.muli %add3A_151, %mul3A_152 : i32
    %add3A_154 = arith.constant 32 : i32
    %add3A_155 = arith.addi %mul3A_153, %add3A_154 : i32
    %dma_wait3A_156 = arith.constant 0 : i32
    %dma_wait3A_157 = tpu.memref_slice %arg4[%add3A_155, %dma_wait3A_156] : memref<12288x1024xf32, #tpu.memory_space<hbm>> -> memref<32x1024xf32, #tpu.memory_space<hbm>>
    %dma_wait3A_158 = arith.constant 0 : i32
    %dma_wait3A_159 = tpu.memref_slice %arg4[%add3A_155, %dma_wait3A_158] : memref<12288x1024xf32, #tpu.memory_space<hbm>> -> memref<32x1024xf32, #tpu.memory_space<hbm>>
    tpu.wait_dma2 semaphore(%arg13 : memref<!tpu.dma_semaphore, #tpu.memory_space<semaphore_mem>>) src(%arg7 : memref<32x1024xf32, #tpu.memory_space<vmem>>) dst(%dma_wait3A_159 : memref<32x1024xf32, #tpu.memory_space<hbm>>)
    %add3A_160 = arith.constant 1 : i32
    %add3A_161 = arith.addi %mul3A_2, %add3A_160 : i32
    %mul3A_162 = arith.constant 96 : i32
    %mul3A_163 = arith.muli %add3A_161, %mul3A_162 : i32
    %add3A_164 = arith.constant 32 : i32
    %add3A_165 = arith.addi %mul3A_163, %add3A_164 : i32
    %dma_start3A_166 = arith.constant 0 : i32
    %dma_start3A_167 = tpu.memref_slice %arg2[%add3A_165, %dma_start3A_166] : memref<12288x1024xf32, #tpu.memory_space<hbm>> -> memref<32x1024xf32, #tpu.memory_space<hbm>>
    %dma_start3A_168 = arith.constant 0 : i32
    %dma_start3A_169 = tpu.memref_slice %arg2[%add3A_165, %dma_start3A_168] : memref<12288x1024xf32, #tpu.memory_space<hbm>> -> memref<32x1024xf32, #tpu.memory_space<hbm>>
    tpu.enqueue_dma source(%dma_start3A_169 : memref<32x1024xf32, #tpu.memory_space<hbm>>) target(%arg7 : memref<32x1024xf32, #tpu.memory_space<vmem>>) target_semaphore(%arg10 : memref<!tpu.dma_semaphore, #tpu.memory_space<semaphore_mem>>)
    %add3A_170 = arith.constant 1 : i32
    %add3A_171 = arith.addi %mul3A_2, %add3A_170 : i32
    %mul3A_172 = arith.constant 96 : i32
    %mul3A_173 = arith.muli %add3A_171, %mul3A_172 : i32
    %add3A_174 = arith.constant 0 : i32
    %add3A_175 = arith.addi %mul3A_173, %add3A_174 : i32
    %dma_wait3A_176 = arith.constant 0 : i32
    %dma_wait3A_177 = tpu.memref_slice %arg2[%add3A_175, %dma_wait3A_176] : memref<12288x1024xf32, #tpu.memory_space<hbm>> -> memref<32x1024xf32, #tpu.memory_space<hbm>>
    %dma_wait3A_178 = arith.constant 0 : i32
    %dma_wait3A_179 = tpu.memref_slice %arg2[%add3A_175, %dma_wait3A_178] : memref<12288x1024xf32, #tpu.memory_space<hbm>> -> memref<32x1024xf32, #tpu.memory_space<hbm>>
    tpu.wait_dma2 semaphore(%arg9 : memref<!tpu.dma_semaphore, #tpu.memory_space<semaphore_mem>>) src(%dma_wait3A_179 : memref<32x1024xf32, #tpu.memory_space<hbm>>) dst(%arg6 : memref<32x1024xf32, #tpu.memory_space<vmem>>)
    %scan3A_180 = arith.constant 0 : i32
    %scan3A_181 = arith.constant 0 : i32
    %scan3A_182 = arith.constant 64 : i32
    %scan3A_183 = arith.addi %scan3A_181, %scan3A_182 : i32
    %scan3A_184 = arith.constant 1 : i32
    %scan3A_185 = scf.for %scan3A_583 = %scan3A_181 to %scan3A_183 step %scan3A_184 iter_args(%scan3A_584 = %scan3A_180) -> (i32)  : i32 {
      %add3A_585 = arith.constant 1 : i32
      %add3A_586 = arith.addi %sub3A_21, %add3A_585 : i32
      %mul3A_587 = arith.constant 16 : i32
      %mul3A_588 = arith.muli %scan3A_583, %mul3A_587 : i32
      %get3A = arith.index_cast %add3A_586 : i32 to index
      %get3A_589 = arith.index_cast %mul3A_588 : i32 to index
      %get3A_590 = tpu.vector_load %arg5[%get3A, %get3A_589] {strides = array<i32>} : memref<8x1024xf32, #tpu.memory_space<vmem>>, vector<1x16xf32>,
      %get3A_591 = vector.shape_cast %get3A_590 : vector<1x16xf32> to vector<16xf32>
      %parallel_loop3A = arith.constant 0 : i32
      %parallel_loop3A_592 = arith.constant 32 : i32
      %parallel_loop3A_593 = arith.constant 1 : i32
      scf.for %parallel_loop3A_595 = %parallel_loop3A to %parallel_loop3A_592 step %parallel_loop3A_593  : i32 {
        %parallel_loop3A_596 = arith.constant 16 : i32
        %parallel_loop3A_597 = arith.muli %scan3A_583, %parallel_loop3A_596 : i32
        %parallel_loop3A_598 = arith.index_cast %parallel_loop3A_595 : i32 to index
        %parallel_loop3A_599 = arith.index_cast %parallel_loop3A_597 : i32 to index
        %parallel_loop3A_600 = tpu.vector_load %arg6[%parallel_loop3A_598, %parallel_loop3A_599] {strides = array<i32>} : memref<32x1024xf32, #tpu.memory_space<vmem>>, vector<1x16xf32>,
        %parallel_loop3A_601 = vector.shape_cast %parallel_loop3A_600 : vector<1x16xf32> to vector<16xf32>
        %parallel_loop3A_602 = arith.mulf %parallel_loop3A_601, %get3A_591 : vector<16xf32>
        %parallel_loop3A_603 = arith.constant 16 : i32
        %parallel_loop3A_604 = arith.muli %scan3A_583, %parallel_loop3A_603 : i32
        %parallel_loop3A_605 = arith.index_cast %parallel_loop3A_595 : i32 to index
        %parallel_loop3A_606 = arith.index_cast %parallel_loop3A_604 : i32 to index
        %parallel_loop3A_607 = tpu.vector_load %arg6[%parallel_loop3A_605, %parallel_loop3A_606] {strides = array<i32>} : memref<32x1024xf32, #tpu.memory_space<vmem>>, vector<1x16xf32>,
        %parallel_loop3A_608 = vector.shape_cast %parallel_loop3A_607 : vector<1x16xf32> to vector<16xf32>
        %parallel_loop3A_609 = vector.shape_cast %parallel_loop3A_602 : vector<16xf32> to vector<1x16xf32>
        tpu.vector_store %arg6[%parallel_loop3A_605, %parallel_loop3A_606], %parallel_loop3A_609 {strides = array<i32>} : memref<32x1024xf32, #tpu.memory_space<vmem>>, vector<1x16xf32>,
      } {sc.loop_unroll_factor = 8 : i64, sc.parallel_access}
      %scan3A_594 = arith.constant 0 : i32
      scf.yield %scan3A_594 : i32
    }
    %scan3A_186 = arith.constant 64 : i32
    %add3A_187 = arith.constant 1 : i32
    %add3A_188 = arith.addi %mul3A_2, %add3A_187 : i32
    %mul3A_189 = arith.constant 96 : i32
    %mul3A_190 = arith.muli %add3A_188, %mul3A_189 : i32
    %add3A_191 = arith.constant 0 : i32
    %add3A_192 = arith.addi %mul3A_190, %add3A_191 : i32
    %dma_start3A_193 = arith.constant 0 : i32
    %dma_start3A_194 = tpu.memref_slice %arg4[%add3A_192, %dma_start3A_193] : memref<12288x1024xf32, #tpu.memory_space<hbm>> -> memref<32x1024xf32, #tpu.memory_space<hbm>>
    %dma_start3A_195 = arith.constant 0 : i32
    %dma_start3A_196 = tpu.memref_slice %arg4[%add3A_192, %dma_start3A_195] : memref<12288x1024xf32, #tpu.memory_space<hbm>> -> memref<32x1024xf32, #tpu.memory_space<hbm>>
    tpu.enqueue_dma source(%arg6 : memref<32x1024xf32, #tpu.memory_space<vmem>>) target(%dma_start3A_196 : memref<32x1024xf32, #tpu.memory_space<hbm>>) target_semaphore(%arg12 : memref<!tpu.dma_semaphore, #tpu.memory_space<semaphore_mem>>)
    %add3A_197 = arith.constant 0 : i32
    %add3A_198 = arith.addi %mul3A_2, %add3A_197 : i32
    %mul3A_199 = arith.constant 96 : i32
    %mul3A_200 = arith.muli %add3A_198, %mul3A_199 : i32
    %add3A_201 = arith.constant 64 : i32
    %add3A_202 = arith.addi %mul3A_200, %add3A_201 : i32
    %dma_wait3A_203 = arith.constant 0 : i32
    %dma_wait3A_204 = tpu.memref_slice %arg4[%add3A_202, %dma_wait3A_203] : memref<12288x1024xf32, #tpu.memory_space<hbm>> -> memref<32x1024xf32, #tpu.memory_space<hbm>>
    %dma_wait3A_205 = arith.constant 0 : i32
    %dma_wait3A_206 = tpu.memref_slice %arg4[%add3A_202, %dma_wait3A_205] : memref<12288x1024xf32, #tpu.memory_space<hbm>> -> memref<32x1024xf32, #tpu.memory_space<hbm>>
    tpu.wait_dma2 semaphore(%arg14 : memref<!tpu.dma_semaphore, #tpu.memory_space<semaphore_mem>>) src(%arg8 : memref<32x1024xf32, #tpu.memory_space<vmem>>) dst(%dma_wait3A_206 : memref<32x1024xf32, #tpu.memory_space<hbm>>)
    %add3A_207 = arith.constant 1 : i32
    %add3A_208 = arith.addi %mul3A_2, %add3A_207 : i32
    %mul3A_209 = arith.constant 96 : i32
    %mul3A_210 = arith.muli %add3A_208, %mul3A_209 : i32
    %add3A_211 = arith.constant 64 : i32
    %add3A_212 = arith.addi %mul3A_210, %add3A_211 : i32
    %dma_start3A_213 = arith.constant 0 : i32
    %dma_start3A_214 = tpu.memref_slice %arg2[%add3A_212, %dma_start3A_213] : memref<12288x1024xf32, #tpu.memory_space<hbm>> -> memref<32x1024xf32, #tpu.memory_space<hbm>>
    %dma_start3A_215 = arith.constant 0 : i32
    %dma_start3A_216 = tpu.memref_slice %arg2[%add3A_212, %dma_start3A_215] : memref<12288x1024xf32, #tpu.memory_space<hbm>> -> memref<32x1024xf32, #tpu.memory_space<hbm>>
    tpu.enqueue_dma source(%dma_start3A_216 : memref<32x1024xf32, #tpu.memory_space<hbm>>) target(%arg8 : memref<32x1024xf32, #tpu.memory_space<vmem>>) target_semaphore(%arg11 : memref<!tpu.dma_semaphore, #tpu.memory_space<semaphore_mem>>)
    %add3A_217 = arith.constant 1 : i32
    %add3A_218 = arith.addi %mul3A_2, %add3A_217 : i32
    %mul3A_219 = arith.constant 96 : i32
    %mul3A_220 = arith.muli %add3A_218, %mul3A_219 : i32
    %add3A_221 = arith.constant 32 : i32
    %add3A_222 = arith.addi %mul3A_220, %add3A_221 : i32
    %dma_wait3A_223 = arith.constant 0 : i32
    %dma_wait3A_224 = tpu.memref_slice %arg2[%add3A_222, %dma_wait3A_223] : memref<12288x1024xf32, #tpu.memory_space<hbm>> -> memref<32x1024xf32, #tpu.memory_space<hbm>>
    %dma_wait3A_225 = arith.constant 0 : i32
    %dma_wait3A_226 = tpu.memref_slice %arg2[%add3A_222, %dma_wait3A_225] : memref<12288x1024xf32, #tpu.memory_space<hbm>> -> memref<32x1024xf32, #tpu.memory_space<hbm>>
    tpu.wait_dma2 semaphore(%arg10 : memref<!tpu.dma_semaphore, #tpu.memory_space<semaphore_mem>>) src(%dma_wait3A_226 : memref<32x1024xf32, #tpu.memory_space<hbm>>) dst(%arg7 : memref<32x1024xf32, #tpu.memory_space<vmem>>)
    %scan3A_227 = arith.constant 0 : i32
    %scan3A_228 = arith.constant 0 : i32
    %scan3A_229 = arith.constant 64 : i32
    %scan3A_230 = arith.addi %scan3A_228, %scan3A_229 : i32
    %scan3A_231 = arith.constant 1 : i32
    %scan3A_232 = scf.for %scan3A_583 = %scan3A_228 to %scan3A_230 step %scan3A_231 iter_args(%scan3A_584 = %scan3A_227) -> (i32)  : i32 {
      %add3A_585 = arith.constant 1 : i32
      %add3A_586 = arith.addi %sub3A_21, %add3A_585 : i32
      %mul3A_587 = arith.constant 16 : i32
      %mul3A_588 = arith.muli %scan3A_583, %mul3A_587 : i32
      %get3A = arith.index_cast %add3A_586 : i32 to index
      %get3A_589 = arith.index_cast %mul3A_588 : i32 to index
      %get3A_590 = tpu.vector_load %arg5[%get3A, %get3A_589] {strides = array<i32>} : memref<8x1024xf32, #tpu.memory_space<vmem>>, vector<1x16xf32>,
      %get3A_591 = vector.shape_cast %get3A_590 : vector<1x16xf32> to vector<16xf32>
      %parallel_loop3A = arith.constant 0 : i32
      %parallel_loop3A_592 = arith.constant 32 : i32
      %parallel_loop3A_593 = arith.constant 1 : i32
      scf.for %parallel_loop3A_595 = %parallel_loop3A to %parallel_loop3A_592 step %parallel_loop3A_593  : i32 {
        %parallel_loop3A_596 = arith.constant 16 : i32
        %parallel_loop3A_597 = arith.muli %scan3A_583, %parallel_loop3A_596 : i32
        %parallel_loop3A_598 = arith.index_cast %parallel_loop3A_595 : i32 to index
        %parallel_loop3A_599 = arith.index_cast %parallel_loop3A_597 : i32 to index
        %parallel_loop3A_600 = tpu.vector_load %arg7[%parallel_loop3A_598, %parallel_loop3A_599] {strides = array<i32>} : memref<32x1024xf32, #tpu.memory_space<vmem>>, vector<1x16xf32>,
        %parallel_loop3A_601 = vector.shape_cast %parallel_loop3A_600 : vector<1x16xf32> to vector<16xf32>
        %parallel_loop3A_602 = arith.mulf %parallel_loop3A_601, %get3A_591 : vector<16xf32>
        %parallel_loop3A_603 = arith.constant 16 : i32
        %parallel_loop3A_604 = arith.muli %scan3A_583, %parallel_loop3A_603 : i32
        %parallel_loop3A_605 = arith.index_cast %parallel_loop3A_595 : i32 to index
        %parallel_loop3A_606 = arith.index_cast %parallel_loop3A_604 : i32 to index
        %parallel_loop3A_607 = tpu.vector_load %arg7[%parallel_loop3A_605, %parallel_loop3A_606] {strides = array<i32>} : memref<32x1024xf32, #tpu.memory_space<vmem>>, vector<1x16xf32>,
        %parallel_loop3A_608 = vector.shape_cast %parallel_loop3A_607 : vector<1x16xf32> to vector<16xf32>
        %parallel_loop3A_609 = vector.shape_cast %parallel_loop3A_602 : vector<16xf32> to vector<1x16xf32>
        tpu.vector_store %arg7[%parallel_loop3A_605, %parallel_loop3A_606], %parallel_loop3A_609 {strides = array<i32>} : memref<32x1024xf32, #tpu.memory_space<vmem>>, vector<1x16xf32>,
      } {sc.loop_unroll_factor = 8 : i64, sc.parallel_access}
      %scan3A_594 = arith.constant 0 : i32
      scf.yield %scan3A_594 : i32
    }
    %scan3A_233 = arith.constant 64 : i32
    %add3A_234 = arith.constant 1 : i32
    %add3A_235 = arith.addi %mul3A_2, %add3A_234 : i32
    %mul3A_236 = arith.constant 96 : i32
    %mul3A_237 = arith.muli %add3A_235, %mul3A_236 : i32
    %add3A_238 = arith.constant 32 : i32
    %add3A_239 = arith.addi %mul3A_237, %add3A_238 : i32
    %dma_start3A_240 = arith.constant 0 : i32
    %dma_start3A_241 = tpu.memref_slice %arg4[%add3A_239, %dma_start3A_240] : memref<12288x1024xf32, #tpu.memory_space<hbm>> -> memref<32x1024xf32, #tpu.memory_space<hbm>>
    %dma_start3A_242 = arith.constant 0 : i32
    %dma_start3A_243 = tpu.memref_slice %arg4[%add3A_239, %dma_start3A_242] : memref<12288x1024xf32, #tpu.memory_space<hbm>> -> memref<32x1024xf32, #tpu.memory_space<hbm>>
    tpu.enqueue_dma source(%arg7 : memref<32x1024xf32, #tpu.memory_space<vmem>>) target(%dma_start3A_243 : memref<32x1024xf32, #tpu.memory_space<hbm>>) target_semaphore(%arg13 : memref<!tpu.dma_semaphore, #tpu.memory_space<semaphore_mem>>)
    %add3A_244 = arith.constant 1 : i32
    %add3A_245 = arith.addi %mul3A_2, %add3A_244 : i32
    %mul3A_246 = arith.constant 96 : i32
    %mul3A_247 = arith.muli %add3A_245, %mul3A_246 : i32
    %add3A_248 = arith.constant 0 : i32
    %add3A_249 = arith.addi %mul3A_247, %add3A_248 : i32
    %dma_wait3A_250 = arith.constant 0 : i32
    %dma_wait3A_251 = tpu.memref_slice %arg4[%add3A_249, %dma_wait3A_250] : memref<12288x1024xf32, #tpu.memory_space<hbm>> -> memref<32x1024xf32, #tpu.memory_space<hbm>>
    %dma_wait3A_252 = arith.constant 0 : i32
    %dma_wait3A_253 = tpu.memref_slice %arg4[%add3A_249, %dma_wait3A_252] : memref<12288x1024xf32, #tpu.memory_space<hbm>> -> memref<32x1024xf32, #tpu.memory_space<hbm>>
    tpu.wait_dma2 semaphore(%arg12 : memref<!tpu.dma_semaphore, #tpu.memory_space<semaphore_mem>>) src(%arg6 : memref<32x1024xf32, #tpu.memory_space<vmem>>) dst(%dma_wait3A_253 : memref<32x1024xf32, #tpu.memory_space<hbm>>)
    %add3A_254 = arith.constant 2 : i32
    %add3A_255 = arith.addi %mul3A_2, %add3A_254 : i32
    %mul3A_256 = arith.constant 96 : i32
    %mul3A_257 = arith.muli %add3A_255, %mul3A_256 : i32
    %add3A_258 = arith.constant 0 : i32
    %add3A_259 = arith.addi %mul3A_257, %add3A_258 : i32
    %dma_start3A_260 = arith.constant 0 : i32
    %dma_start3A_261 = tpu.memref_slice %arg2[%add3A_259, %dma_start3A_260] : memref<12288x1024xf32, #tpu.memory_space<hbm>> -> memref<32x1024xf32, #tpu.memory_space<hbm>>
    %dma_start3A_262 = arith.constant 0 : i32
    %dma_start3A_263 = tpu.memref_slice %arg2[%add3A_259, %dma_start3A_262] : memref<12288x1024xf32, #tpu.memory_space<hbm>> -> memref<32x1024xf32, #tpu.memory_space<hbm>>
    tpu.enqueue_dma source(%dma_start3A_263 : memref<32x1024xf32, #tpu.memory_space<hbm>>) target(%arg6 : memref<32x1024xf32, #tpu.memory_space<vmem>>) target_semaphore(%arg9 : memref<!tpu.dma_semaphore, #tpu.memory_space<semaphore_mem>>)
    %add3A_264 = arith.constant 1 : i32
    %add3A_265 = arith.addi %mul3A_2, %add3A_264 : i32
    %mul3A_266 = arith.constant 96 : i32
    %mul3A_267 = arith.muli %add3A_265, %mul3A_266 : i32
    %add3A_268 = arith.constant 64 : i32
    %add3A_269 = arith.addi %mul3A_267, %add3A_268 : i32
    %dma_wait3A_270 = arith.constant 0 : i32
    %dma_wait3A_271 = tpu.memref_slice %arg2[%add3A_269, %dma_wait3A_270] : memref<12288x1024xf32, #tpu.memory_space<hbm>> -> memref<32x1024xf32, #tpu.memory_space<hbm>>
    %dma_wait3A_272 = arith.constant 0 : i32
    %dma_wait3A_273 = tpu.memref_slice %arg2[%add3A_269, %dma_wait3A_272] : memref<12288x1024xf32, #tpu.memory_space<hbm>> -> memref<32x1024xf32, #tpu.memory_space<hbm>>
    tpu.wait_dma2 semaphore(%arg11 : memref<!tpu.dma_semaphore, #tpu.memory_space<semaphore_mem>>) src(%dma_wait3A_273 : memref<32x1024xf32, #tpu.memory_space<hbm>>) dst(%arg8 : memref<32x1024xf32, #tpu.memory_space<vmem>>)
    %scan3A_274 = arith.constant 0 : i32
    %scan3A_275 = arith.constant 0 : i32
    %scan3A_276 = arith.constant 64 : i32
    %scan3A_277 = arith.addi %scan3A_275, %scan3A_276 : i32
    %scan3A_278 = arith.constant 1 : i32
    %scan3A_279 = scf.for %scan3A_583 = %scan3A_275 to %scan3A_277 step %scan3A_278 iter_args(%scan3A_584 = %scan3A_274) -> (i32)  : i32 {
      %add3A_585 = arith.constant 1 : i32
      %add3A_586 = arith.addi %sub3A_21, %add3A_585 : i32
      %mul3A_587 = arith.constant 16 : i32
      %mul3A_588 = arith.muli %scan3A_583, %mul3A_587 : i32
      %get3A = arith.index_cast %add3A_586 : i32 to index
      %get3A_589 = arith.index_cast %mul3A_588 : i32 to index
      %get3A_590 = tpu.vector_load %arg5[%get3A, %get3A_589] {strides = array<i32>} : memref<8x1024xf32, #tpu.memory_space<vmem>>, vector<1x16xf32>,
      %get3A_591 = vector.shape_cast %get3A_590 : vector<1x16xf32> to vector<16xf32>
      %parallel_loop3A = arith.constant 0 : i32
      %parallel_loop3A_592 = arith.constant 32 : i32
      %parallel_loop3A_593 = arith.constant 1 : i32
      scf.for %parallel_loop3A_595 = %parallel_loop3A to %parallel_loop3A_592 step %parallel_loop3A_593  : i32 {
        %parallel_loop3A_596 = arith.constant 16 : i32
        %parallel_loop3A_597 = arith.muli %scan3A_583, %parallel_loop3A_596 : i32
        %parallel_loop3A_598 = arith.index_cast %parallel_loop3A_595 : i32 to index
        %parallel_loop3A_599 = arith.index_cast %parallel_loop3A_597 : i32 to index
        %parallel_loop3A_600 = tpu.vector_load %arg8[%parallel_loop3A_598, %parallel_loop3A_599] {strides = array<i32>} : memref<32x1024xf32, #tpu.memory_space<vmem>>, vector<1x16xf32>,
        %parallel_loop3A_601 = vector.shape_cast %parallel_loop3A_600 : vector<1x16xf32> to vector<16xf32>
        %parallel_loop3A_602 = arith.mulf %parallel_loop3A_601, %get3A_591 : vector<16xf32>
        %parallel_loop3A_603 = arith.constant 16 : i32
        %parallel_loop3A_604 = arith.muli %scan3A_583, %parallel_loop3A_603 : i32
        %parallel_loop3A_605 = arith.index_cast %parallel_loop3A_595 : i32 to index
        %parallel_loop3A_606 = arith.index_cast %parallel_loop3A_604 : i32 to index
        %parallel_loop3A_607 = tpu.vector_load %arg8[%parallel_loop3A_605, %parallel_loop3A_606] {strides = array<i32>} : memref<32x1024xf32, #tpu.memory_space<vmem>>, vector<1x16xf32>,
        %parallel_loop3A_608 = vector.shape_cast %parallel_loop3A_607 : vector<1x16xf32> to vector<16xf32>
        %parallel_loop3A_609 = vector.shape_cast %parallel_loop3A_602 : vector<16xf32> to vector<1x16xf32>
        tpu.vector_store %arg8[%parallel_loop3A_605, %parallel_loop3A_606], %parallel_loop3A_609 {strides = array<i32>} : memref<32x1024xf32, #tpu.memory_space<vmem>>, vector<1x16xf32>,
      } {sc.loop_unroll_factor = 8 : i64, sc.parallel_access}
      %scan3A_594 = arith.constant 0 : i32
      scf.yield %scan3A_594 : i32
    }
    %scan3A_280 = arith.constant 64 : i32
    %add3A_281 = arith.constant 1 : i32
    %add3A_282 = arith.addi %mul3A_2, %add3A_281 : i32
    %mul3A_283 = arith.constant 96 : i32
    %mul3A_284 = arith.muli %add3A_282, %mul3A_283 : i32
    %add3A_285 = arith.constant 64 : i32
    %add3A_286 = arith.addi %mul3A_284, %add3A_285 : i32
    %dma_start3A_287 = arith.constant 0 : i32
    %dma_start3A_288 = tpu.memref_slice %arg4[%add3A_286, %dma_start3A_287] : memref<12288x1024xf32, #tpu.memory_space<hbm>> -> memref<32x1024xf32, #tpu.memory_space<hbm>>
    %dma_start3A_289 = arith.constant 0 : i32
    %dma_start3A_290 = tpu.memref_slice %arg4[%add3A_286, %dma_start3A_289] : memref<12288x1024xf32, #tpu.memory_space<hbm>> -> memref<32x1024xf32, #tpu.memory_space<hbm>>
    tpu.enqueue_dma source(%arg8 : memref<32x1024xf32, #tpu.memory_space<vmem>>) target(%dma_start3A_290 : memref<32x1024xf32, #tpu.memory_space<hbm>>) target_semaphore(%arg14 : memref<!tpu.dma_semaphore, #tpu.memory_space<semaphore_mem>>)
    %add3A_291 = arith.constant 1 : i32
    %add3A_292 = arith.addi %mul3A_2, %add3A_291 : i32
    %mul3A_293 = arith.constant 96 : i32
    %mul3A_294 = arith.muli %add3A_292, %mul3A_293 : i32
    %add3A_295 = arith.constant 32 : i32
    %add3A_296 = arith.addi %mul3A_294, %add3A_295 : i32
    %dma_wait3A_297 = arith.constant 0 : i32
    %dma_wait3A_298 = tpu.memref_slice %arg4[%add3A_296, %dma_wait3A_297] : memref<12288x1024xf32, #tpu.memory_space<hbm>> -> memref<32x1024xf32, #tpu.memory_space<hbm>>
    %dma_wait3A_299 = arith.constant 0 : i32
    %dma_wait3A_300 = tpu.memref_slice %arg4[%add3A_296, %dma_wait3A_299] : memref<12288x1024xf32, #tpu.memory_space<hbm>> -> memref<32x1024xf32, #tpu.memory_space<hbm>>
    tpu.wait_dma2 semaphore(%arg13 : memref<!tpu.dma_semaphore, #tpu.memory_space<semaphore_mem>>) src(%arg7 : memref<32x1024xf32, #tpu.memory_space<vmem>>) dst(%dma_wait3A_300 : memref<32x1024xf32, #tpu.memory_space<hbm>>)
    %add3A_301 = arith.constant 2 : i32
    %add3A_302 = arith.addi %mul3A_2, %add3A_301 : i32
    %mul3A_303 = arith.constant 96 : i32
    %mul3A_304 = arith.muli %add3A_302, %mul3A_303 : i32
    %add3A_305 = arith.constant 32 : i32
    %add3A_306 = arith.addi %mul3A_304, %add3A_305 : i32
    %dma_start3A_307 = arith.constant 0 : i32
    %dma_start3A_308 = tpu.memref_slice %arg2[%add3A_306, %dma_start3A_307] : memref<12288x1024xf32, #tpu.memory_space<hbm>> -> memref<32x1024xf32, #tpu.memory_space<hbm>>
    %dma_start3A_309 = arith.constant 0 : i32
    %dma_start3A_310 = tpu.memref_slice %arg2[%add3A_306, %dma_start3A_309] : memref<12288x1024xf32, #tpu.memory_space<hbm>> -> memref<32x1024xf32, #tpu.memory_space<hbm>>
    tpu.enqueue_dma source(%dma_start3A_310 : memref<32x1024xf32, #tpu.memory_space<hbm>>) target(%arg7 : memref<32x1024xf32, #tpu.memory_space<vmem>>) target_semaphore(%arg10 : memref<!tpu.dma_semaphore, #tpu.memory_space<semaphore_mem>>)
    %add3A_311 = arith.constant 2 : i32
    %add3A_312 = arith.addi %mul3A_2, %add3A_311 : i32
    %mul3A_313 = arith.constant 96 : i32
    %mul3A_314 = arith.muli %add3A_312, %mul3A_313 : i32
    %add3A_315 = arith.constant 0 : i32
    %add3A_316 = arith.addi %mul3A_314, %add3A_315 : i32
    %dma_wait3A_317 = arith.constant 0 : i32
    %dma_wait3A_318 = tpu.memref_slice %arg2[%add3A_316, %dma_wait3A_317] : memref<12288x1024xf32, #tpu.memory_space<hbm>> -> memref<32x1024xf32, #tpu.memory_space<hbm>>
    %dma_wait3A_319 = arith.constant 0 : i32
    %dma_wait3A_320 = tpu.memref_slice %arg2[%add3A_316, %dma_wait3A_319] : memref<12288x1024xf32, #tpu.memory_space<hbm>> -> memref<32x1024xf32, #tpu.memory_space<hbm>>
    tpu.wait_dma2 semaphore(%arg9 : memref<!tpu.dma_semaphore, #tpu.memory_space<semaphore_mem>>) src(%dma_wait3A_320 : memref<32x1024xf32, #tpu.memory_space<hbm>>) dst(%arg6 : memref<32x1024xf32, #tpu.memory_space<vmem>>)
    %scan3A_321 = arith.constant 0 : i32
    %scan3A_322 = arith.constant 0 : i32
    %scan3A_323 = arith.constant 64 : i32
    %scan3A_324 = arith.addi %scan3A_322, %scan3A_323 : i32
    %scan3A_325 = arith.constant 1 : i32
    %scan3A_326 = scf.for %scan3A_583 = %scan3A_322 to %scan3A_324 step %scan3A_325 iter_args(%scan3A_584 = %scan3A_321) -> (i32)  : i32 {
      %add3A_585 = arith.constant 2 : i32
      %add3A_586 = arith.addi %sub3A_21, %add3A_585 : i32
      %mul3A_587 = arith.constant 16 : i32
      %mul3A_588 = arith.muli %scan3A_583, %mul3A_587 : i32
      %get3A = arith.index_cast %add3A_586 : i32 to index
      %get3A_589 = arith.index_cast %mul3A_588 : i32 to index
      %get3A_590 = tpu.vector_load %arg5[%get3A, %get3A_589] {strides = array<i32>} : memref<8x1024xf32, #tpu.memory_space<vmem>>, vector<1x16xf32>,
      %get3A_591 = vector.shape_cast %get3A_590 : vector<1x16xf32> to vector<16xf32>
      %parallel_loop3A = arith.constant 0 : i32
      %parallel_loop3A_592 = arith.constant 32 : i32
      %parallel_loop3A_593 = arith.constant 1 : i32
      scf.for %parallel_loop3A_595 = %parallel_loop3A to %parallel_loop3A_592 step %parallel_loop3A_593  : i32 {
        %parallel_loop3A_596 = arith.constant 16 : i32
        %parallel_loop3A_597 = arith.muli %scan3A_583, %parallel_loop3A_596 : i32
        %parallel_loop3A_598 = arith.index_cast %parallel_loop3A_595 : i32 to index
        %parallel_loop3A_599 = arith.index_cast %parallel_loop3A_597 : i32 to index
        %parallel_loop3A_600 = tpu.vector_load %arg6[%parallel_loop3A_598, %parallel_loop3A_599] {strides = array<i32>} : memref<32x1024xf32, #tpu.memory_space<vmem>>, vector<1x16xf32>,
        %parallel_loop3A_601 = vector.shape_cast %parallel_loop3A_600 : vector<1x16xf32> to vector<16xf32>
        %parallel_loop3A_602 = arith.mulf %parallel_loop3A_601, %get3A_591 : vector<16xf32>
        %parallel_loop3A_603 = arith.constant 16 : i32
        %parallel_loop3A_604 = arith.muli %scan3A_583, %parallel_loop3A_603 : i32
        %parallel_loop3A_605 = arith.index_cast %parallel_loop3A_595 : i32 to index
        %parallel_loop3A_606 = arith.index_cast %parallel_loop3A_604 : i32 to index
        %parallel_loop3A_607 = tpu.vector_load %arg6[%parallel_loop3A_605, %parallel_loop3A_606] {strides = array<i32>} : memref<32x1024xf32, #tpu.memory_space<vmem>>, vector<1x16xf32>,
        %parallel_loop3A_608 = vector.shape_cast %parallel_loop3A_607 : vector<1x16xf32> to vector<16xf32>
        %parallel_loop3A_609 = vector.shape_cast %parallel_loop3A_602 : vector<16xf32> to vector<1x16xf32>
        tpu.vector_store %arg6[%parallel_loop3A_605, %parallel_loop3A_606], %parallel_loop3A_609 {strides = array<i32>} : memref<32x1024xf32, #tpu.memory_space<vmem>>, vector<1x16xf32>,
      } {sc.loop_unroll_factor = 8 : i64, sc.parallel_access}
      %scan3A_594 = arith.constant 0 : i32
      scf.yield %scan3A_594 : i32
    }
    %scan3A_327 = arith.constant 64 : i32
    %add3A_328 = arith.constant 2 : i32
    %add3A_329 = arith.addi %mul3A_2, %add3A_328 : i32
    %mul3A_330 = arith.constant 96 : i32
    %mul3A_331 = arith.muli %add3A_329, %mul3A_330 : i32
    %add3A_332 = arith.constant 0 : i32
    %add3A_333 = arith.addi %mul3A_331, %add3A_332 : i32
    %dma_start3A_334 = arith.constant 0 : i32
    %dma_start3A_335 = tpu.memref_slice %arg4[%add3A_333, %dma_start3A_334] : memref<12288x1024xf32, #tpu.memory_space<hbm>> -> memref<32x1024xf32, #tpu.memory_space<hbm>>
    %dma_start3A_336 = arith.constant 0 : i32
    %dma_start3A_337 = tpu.memref_slice %arg4[%add3A_333, %dma_start3A_336] : memref<12288x1024xf32, #tpu.memory_space<hbm>> -> memref<32x1024xf32, #tpu.memory_space<hbm>>
    tpu.enqueue_dma source(%arg6 : memref<32x1024xf32, #tpu.memory_space<vmem>>) target(%dma_start3A_337 : memref<32x1024xf32, #tpu.memory_space<hbm>>) target_semaphore(%arg12 : memref<!tpu.dma_semaphore, #tpu.memory_space<semaphore_mem>>)
    %add3A_338 = arith.constant 1 : i32
    %add3A_339 = arith.addi %mul3A_2, %add3A_338 : i32
    %mul3A_340 = arith.constant 96 : i32
    %mul3A_341 = arith.muli %add3A_339, %mul3A_340 : i32
    %add3A_342 = arith.constant 64 : i32
    %add3A_343 = arith.addi %mul3A_341, %add3A_342 : i32
    %dma_wait3A_344 = arith.constant 0 : i32
    %dma_wait3A_345 = tpu.memref_slice %arg4[%add3A_343, %dma_wait3A_344] : memref<12288x1024xf32, #tpu.memory_space<hbm>> -> memref<32x1024xf32, #tpu.memory_space<hbm>>
    %dma_wait3A_346 = arith.constant 0 : i32
    %dma_wait3A_347 = tpu.memref_slice %arg4[%add3A_343, %dma_wait3A_346] : memref<12288x1024xf32, #tpu.memory_space<hbm>> -> memref<32x1024xf32, #tpu.memory_space<hbm>>
    tpu.wait_dma2 semaphore(%arg14 : memref<!tpu.dma_semaphore, #tpu.memory_space<semaphore_mem>>) src(%arg8 : memref<32x1024xf32, #tpu.memory_space<vmem>>) dst(%dma_wait3A_347 : memref<32x1024xf32, #tpu.memory_space<hbm>>)
    %add3A_348 = arith.constant 2 : i32
    %add3A_349 = arith.addi %mul3A_2, %add3A_348 : i32
    %mul3A_350 = arith.constant 96 : i32
    %mul3A_351 = arith.muli %add3A_349, %mul3A_350 : i32
    %add3A_352 = arith.constant 64 : i32
    %add3A_353 = arith.addi %mul3A_351, %add3A_352 : i32
    %dma_start3A_354 = arith.constant 0 : i32
    %dma_start3A_355 = tpu.memref_slice %arg2[%add3A_353, %dma_start3A_354] : memref<12288x1024xf32, #tpu.memory_space<hbm>> -> memref<32x1024xf32, #tpu.memory_space<hbm>>
    %dma_start3A_356 = arith.constant 0 : i32
    %dma_start3A_357 = tpu.memref_slice %arg2[%add3A_353, %dma_start3A_356] : memref<12288x1024xf32, #tpu.memory_space<hbm>> -> memref<32x1024xf32, #tpu.memory_space<hbm>>
    tpu.enqueue_dma source(%dma_start3A_357 : memref<32x1024xf32, #tpu.memory_space<hbm>>) target(%arg8 : memref<32x1024xf32, #tpu.memory_space<vmem>>) target_semaphore(%arg11 : memref<!tpu.dma_semaphore, #tpu.memory_space<semaphore_mem>>)
    %add3A_358 = arith.constant 2 : i32
    %add3A_359 = arith.addi %mul3A_2, %add3A_358 : i32
    %mul3A_360 = arith.constant 96 : i32
    %mul3A_361 = arith.muli %add3A_359, %mul3A_360 : i32
    %add3A_362 = arith.constant 32 : i32
    %add3A_363 = arith.addi %mul3A_361, %add3A_362 : i32
    %dma_wait3A_364 = arith.constant 0 : i32
    %dma_wait3A_365 = tpu.memref_slice %arg2[%add3A_363, %dma_wait3A_364] : memref<12288x1024xf32, #tpu.memory_space<hbm>> -> memref<32x1024xf32, #tpu.memory_space<hbm>>
    %dma_wait3A_366 = arith.constant 0 : i32
    %dma_wait3A_367 = tpu.memref_slice %arg2[%add3A_363, %dma_wait3A_366] : memref<12288x1024xf32, #tpu.memory_space<hbm>> -> memref<32x1024xf32, #tpu.memory_space<hbm>>
    tpu.wait_dma2 semaphore(%arg10 : memref<!tpu.dma_semaphore, #tpu.memory_space<semaphore_mem>>) src(%dma_wait3A_367 : memref<32x1024xf32, #tpu.memory_space<hbm>>) dst(%arg7 : memref<32x1024xf32, #tpu.memory_space<vmem>>)
    %scan3A_368 = arith.constant 0 : i32
    %scan3A_369 = arith.constant 0 : i32
    %scan3A_370 = arith.constant 64 : i32
    %scan3A_371 = arith.addi %scan3A_369, %scan3A_370 : i32
    %scan3A_372 = arith.constant 1 : i32
    %scan3A_373 = scf.for %scan3A_583 = %scan3A_369 to %scan3A_371 step %scan3A_372 iter_args(%scan3A_584 = %scan3A_368) -> (i32)  : i32 {
      %add3A_585 = arith.constant 2 : i32
      %add3A_586 = arith.addi %sub3A_21, %add3A_585 : i32
      %mul3A_587 = arith.constant 16 : i32
      %mul3A_588 = arith.muli %scan3A_583, %mul3A_587 : i32
      %get3A = arith.index_cast %add3A_586 : i32 to index
      %get3A_589 = arith.index_cast %mul3A_588 : i32 to index
      %get3A_590 = tpu.vector_load %arg5[%get3A, %get3A_589] {strides = array<i32>} : memref<8x1024xf32, #tpu.memory_space<vmem>>, vector<1x16xf32>,
      %get3A_591 = vector.shape_cast %get3A_590 : vector<1x16xf32> to vector<16xf32>
      %parallel_loop3A = arith.constant 0 : i32
      %parallel_loop3A_592 = arith.constant 32 : i32
      %parallel_loop3A_593 = arith.constant 1 : i32
      scf.for %parallel_loop3A_595 = %parallel_loop3A to %parallel_loop3A_592 step %parallel_loop3A_593  : i32 {
        %parallel_loop3A_596 = arith.constant 16 : i32
        %parallel_loop3A_597 = arith.muli %scan3A_583, %parallel_loop3A_596 : i32
        %parallel_loop3A_598 = arith.index_cast %parallel_loop3A_595 : i32 to index
        %parallel_loop3A_599 = arith.index_cast %parallel_loop3A_597 : i32 to index
        %parallel_loop3A_600 = tpu.vector_load %arg7[%parallel_loop3A_598, %parallel_loop3A_599] {strides = array<i32>} : memref<32x1024xf32, #tpu.memory_space<vmem>>, vector<1x16xf32>,
        %parallel_loop3A_601 = vector.shape_cast %parallel_loop3A_600 : vector<1x16xf32> to vector<16xf32>
        %parallel_loop3A_602 = arith.mulf %parallel_loop3A_601, %get3A_591 : vector<16xf32>
        %parallel_loop3A_603 = arith.constant 16 : i32
        %parallel_loop3A_604 = arith.muli %scan3A_583, %parallel_loop3A_603 : i32
        %parallel_loop3A_605 = arith.index_cast %parallel_loop3A_595 : i32 to index
        %parallel_loop3A_606 = arith.index_cast %parallel_loop3A_604 : i32 to index
        %parallel_loop3A_607 = tpu.vector_load %arg7[%parallel_loop3A_605, %parallel_loop3A_606] {strides = array<i32>} : memref<32x1024xf32, #tpu.memory_space<vmem>>, vector<1x16xf32>,
        %parallel_loop3A_608 = vector.shape_cast %parallel_loop3A_607 : vector<1x16xf32> to vector<16xf32>
        %parallel_loop3A_609 = vector.shape_cast %parallel_loop3A_602 : vector<16xf32> to vector<1x16xf32>
        tpu.vector_store %arg7[%parallel_loop3A_605, %parallel_loop3A_606], %parallel_loop3A_609 {strides = array<i32>} : memref<32x1024xf32, #tpu.memory_space<vmem>>, vector<1x16xf32>,
      } {sc.loop_unroll_factor = 8 : i64, sc.parallel_access}
      %scan3A_594 = arith.constant 0 : i32
      scf.yield %scan3A_594 : i32
    }
    %scan3A_374 = arith.constant 64 : i32
    %add3A_375 = arith.constant 2 : i32
    %add3A_376 = arith.addi %mul3A_2, %add3A_375 : i32
    %mul3A_377 = arith.constant 96 : i32
    %mul3A_378 = arith.muli %add3A_376, %mul3A_377 : i32
    %add3A_379 = arith.constant 32 : i32
    %add3A_380 = arith.addi %mul3A_378, %add3A_379 : i32
    %dma_start3A_381 = arith.constant 0 : i32
    %dma_start3A_382 = tpu.memref_slice %arg4[%add3A_380, %dma_start3A_381] : memref<12288x1024xf32, #tpu.memory_space<hbm>> -> memref<32x1024xf32, #tpu.memory_space<hbm>>
    %dma_start3A_383 = arith.constant 0 : i32
    %dma_start3A_384 = tpu.memref_slice %arg4[%add3A_380, %dma_start3A_383] : memref<12288x1024xf32, #tpu.memory_space<hbm>> -> memref<32x1024xf32, #tpu.memory_space<hbm>>
    tpu.enqueue_dma source(%arg7 : memref<32x1024xf32, #tpu.memory_space<vmem>>) target(%dma_start3A_384 : memref<32x1024xf32, #tpu.memory_space<hbm>>) target_semaphore(%arg13 : memref<!tpu.dma_semaphore, #tpu.memory_space<semaphore_mem>>)
    %add3A_385 = arith.constant 2 : i32
    %add3A_386 = arith.addi %mul3A_2, %add3A_385 : i32
    %mul3A_387 = arith.constant 96 : i32
    %mul3A_388 = arith.muli %add3A_386, %mul3A_387 : i32
    %add3A_389 = arith.constant 0 : i32
    %add3A_390 = arith.addi %mul3A_388, %add3A_389 : i32
    %dma_wait3A_391 = arith.constant 0 : i32
    %dma_wait3A_392 = tpu.memref_slice %arg4[%add3A_390, %dma_wait3A_391] : memref<12288x1024xf32, #tpu.memory_space<hbm>> -> memref<32x1024xf32, #tpu.memory_space<hbm>>
    %dma_wait3A_393 = arith.constant 0 : i32
    %dma_wait3A_394 = tpu.memref_slice %arg4[%add3A_390, %dma_wait3A_393] : memref<12288x1024xf32, #tpu.memory_space<hbm>> -> memref<32x1024xf32, #tpu.memory_space<hbm>>
    tpu.wait_dma2 semaphore(%arg12 : memref<!tpu.dma_semaphore, #tpu.memory_space<semaphore_mem>>) src(%arg6 : memref<32x1024xf32, #tpu.memory_space<vmem>>) dst(%dma_wait3A_394 : memref<32x1024xf32, #tpu.memory_space<hbm>>)
    %add3A_395 = arith.constant 3 : i32
    %add3A_396 = arith.addi %mul3A_2, %add3A_395 : i32
    %mul3A_397 = arith.constant 96 : i32
    %mul3A_398 = arith.muli %add3A_396, %mul3A_397 : i32
    %add3A_399 = arith.constant 0 : i32
    %add3A_400 = arith.addi %mul3A_398, %add3A_399 : i32
    %dma_start3A_401 = arith.constant 0 : i32
    %dma_start3A_402 = tpu.memref_slice %arg2[%add3A_400, %dma_start3A_401] : memref<12288x1024xf32, #tpu.memory_space<hbm>> -> memref<32x1024xf32, #tpu.memory_space<hbm>>
    %dma_start3A_403 = arith.constant 0 : i32
    %dma_start3A_404 = tpu.memref_slice %arg2[%add3A_400, %dma_start3A_403] : memref<12288x1024xf32, #tpu.memory_space<hbm>> -> memref<32x1024xf32, #tpu.memory_space<hbm>>
    tpu.enqueue_dma source(%dma_start3A_404 : memref<32x1024xf32, #tpu.memory_space<hbm>>) target(%arg6 : memref<32x1024xf32, #tpu.memory_space<vmem>>) target_semaphore(%arg9 : memref<!tpu.dma_semaphore, #tpu.memory_space<semaphore_mem>>)
    %add3A_405 = arith.constant 2 : i32
    %add3A_406 = arith.addi %mul3A_2, %add3A_405 : i32
    %mul3A_407 = arith.constant 96 : i32
    %mul3A_408 = arith.muli %add3A_406, %mul3A_407 : i32
    %add3A_409 = arith.constant 64 : i32
    %add3A_410 = arith.addi %mul3A_408, %add3A_409 : i32
    %dma_wait3A_411 = arith.constant 0 : i32
    %dma_wait3A_412 = tpu.memref_slice %arg2[%add3A_410, %dma_wait3A_411] : memref<12288x1024xf32, #tpu.memory_space<hbm>> -> memref<32x1024xf32, #tpu.memory_space<hbm>>
    %dma_wait3A_413 = arith.constant 0 : i32
    %dma_wait3A_414 = tpu.memref_slice %arg2[%add3A_410, %dma_wait3A_413] : memref<12288x1024xf32, #tpu.memory_space<hbm>> -> memref<32x1024xf32, #tpu.memory_space<hbm>>
    tpu.wait_dma2 semaphore(%arg11 : memref<!tpu.dma_semaphore, #tpu.memory_space<semaphore_mem>>) src(%dma_wait3A_414 : memref<32x1024xf32, #tpu.memory_space<hbm>>) dst(%arg8 : memref<32x1024xf32, #tpu.memory_space<vmem>>)
    %scan3A_415 = arith.constant 0 : i32
    %scan3A_416 = arith.constant 0 : i32
    %scan3A_417 = arith.constant 64 : i32
    %scan3A_418 = arith.addi %scan3A_416, %scan3A_417 : i32
    %scan3A_419 = arith.constant 1 : i32
    %scan3A_420 = scf.for %scan3A_583 = %scan3A_416 to %scan3A_418 step %scan3A_419 iter_args(%scan3A_584 = %scan3A_415) -> (i32)  : i32 {
      %add3A_585 = arith.constant 2 : i32
      %add3A_586 = arith.addi %sub3A_21, %add3A_585 : i32
      %mul3A_587 = arith.constant 16 : i32
      %mul3A_588 = arith.muli %scan3A_583, %mul3A_587 : i32
      %get3A = arith.index_cast %add3A_586 : i32 to index
      %get3A_589 = arith.index_cast %mul3A_588 : i32 to index
      %get3A_590 = tpu.vector_load %arg5[%get3A, %get3A_589] {strides = array<i32>} : memref<8x1024xf32, #tpu.memory_space<vmem>>, vector<1x16xf32>,
      %get3A_591 = vector.shape_cast %get3A_590 : vector<1x16xf32> to vector<16xf32>
      %parallel_loop3A = arith.constant 0 : i32
      %parallel_loop3A_592 = arith.constant 32 : i32
      %parallel_loop3A_593 = arith.constant 1 : i32
      scf.for %parallel_loop3A_595 = %parallel_loop3A to %parallel_loop3A_592 step %parallel_loop3A_593  : i32 {
        %parallel_loop3A_596 = arith.constant 16 : i32
        %parallel_loop3A_597 = arith.muli %scan3A_583, %parallel_loop3A_596 : i32
        %parallel_loop3A_598 = arith.index_cast %parallel_loop3A_595 : i32 to index
        %parallel_loop3A_599 = arith.index_cast %parallel_loop3A_597 : i32 to index
        %parallel_loop3A_600 = tpu.vector_load %arg8[%parallel_loop3A_598, %parallel_loop3A_599] {strides = array<i32>} : memref<32x1024xf32, #tpu.memory_space<vmem>>, vector<1x16xf32>,
        %parallel_loop3A_601 = vector.shape_cast %parallel_loop3A_600 : vector<1x16xf32> to vector<16xf32>
        %parallel_loop3A_602 = arith.mulf %parallel_loop3A_601, %get3A_591 : vector<16xf32>
        %parallel_loop3A_603 = arith.constant 16 : i32
        %parallel_loop3A_604 = arith.muli %scan3A_583, %parallel_loop3A_603 : i32
        %parallel_loop3A_605 = arith.index_cast %parallel_loop3A_595 : i32 to index
        %parallel_loop3A_606 = arith.index_cast %parallel_loop3A_604 : i32 to index
        %parallel_loop3A_607 = tpu.vector_load %arg8[%parallel_loop3A_605, %parallel_loop3A_606] {strides = array<i32>} : memref<32x1024xf32, #tpu.memory_space<vmem>>, vector<1x16xf32>,
        %parallel_loop3A_608 = vector.shape_cast %parallel_loop3A_607 : vector<1x16xf32> to vector<16xf32>
        %parallel_loop3A_609 = vector.shape_cast %parallel_loop3A_602 : vector<16xf32> to vector<1x16xf32>
        tpu.vector_store %arg8[%parallel_loop3A_605, %parallel_loop3A_606], %parallel_loop3A_609 {strides = array<i32>} : memref<32x1024xf32, #tpu.memory_space<vmem>>, vector<1x16xf32>,
      } {sc.loop_unroll_factor = 8 : i64, sc.parallel_access}
      %scan3A_594 = arith.constant 0 : i32
      scf.yield %scan3A_594 : i32
    }
    %scan3A_421 = arith.constant 64 : i32
    %add3A_422 = arith.constant 2 : i32
    %add3A_423 = arith.addi %mul3A_2, %add3A_422 : i32
    %mul3A_424 = arith.constant 96 : i32
    %mul3A_425 = arith.muli %add3A_423, %mul3A_424 : i32
    %add3A_426 = arith.constant 64 : i32
    %add3A_427 = arith.addi %mul3A_425, %add3A_426 : i32
    %dma_start3A_428 = arith.constant 0 : i32
    %dma_start3A_429 = tpu.memref_slice %arg4[%add3A_427, %dma_start3A_428] : memref<12288x1024xf32, #tpu.memory_space<hbm>> -> memref<32x1024xf32, #tpu.memory_space<hbm>>
    %dma_start3A_430 = arith.constant 0 : i32
    %dma_start3A_431 = tpu.memref_slice %arg4[%add3A_427, %dma_start3A_430] : memref<12288x1024xf32, #tpu.memory_space<hbm>> -> memref<32x1024xf32, #tpu.memory_space<hbm>>
    tpu.enqueue_dma source(%arg8 : memref<32x1024xf32, #tpu.memory_space<vmem>>) target(%dma_start3A_431 : memref<32x1024xf32, #tpu.memory_space<hbm>>) target_semaphore(%arg14 : memref<!tpu.dma_semaphore, #tpu.memory_space<semaphore_mem>>)
    %add3A_432 = arith.constant 2 : i32
    %add3A_433 = arith.addi %mul3A_2, %add3A_432 : i32
    %mul3A_434 = arith.constant 96 : i32
    %mul3A_435 = arith.muli %add3A_433, %mul3A_434 : i32
    %add3A_436 = arith.constant 32 : i32
    %add3A_437 = arith.addi %mul3A_435, %add3A_436 : i32
    %dma_wait3A_438 = arith.constant 0 : i32
    %dma_wait3A_439 = tpu.memref_slice %arg4[%add3A_437, %dma_wait3A_438] : memref<12288x1024xf32, #tpu.memory_space<hbm>> -> memref<32x1024xf32, #tpu.memory_space<hbm>>
    %dma_wait3A_440 = arith.constant 0 : i32
    %dma_wait3A_441 = tpu.memref_slice %arg4[%add3A_437, %dma_wait3A_440] : memref<12288x1024xf32, #tpu.memory_space<hbm>> -> memref<32x1024xf32, #tpu.memory_space<hbm>>
    tpu.wait_dma2 semaphore(%arg13 : memref<!tpu.dma_semaphore, #tpu.memory_space<semaphore_mem>>) src(%arg7 : memref<32x1024xf32, #tpu.memory_space<vmem>>) dst(%dma_wait3A_441 : memref<32x1024xf32, #tpu.memory_space<hbm>>)
    %add3A_442 = arith.constant 3 : i32
    %add3A_443 = arith.addi %mul3A_2, %add3A_442 : i32
    %mul3A_444 = arith.constant 96 : i32
    %mul3A_445 = arith.muli %add3A_443, %mul3A_444 : i32
    %add3A_446 = arith.constant 32 : i32
    %add3A_447 = arith.addi %mul3A_445, %add3A_446 : i32
    %dma_start3A_448 = arith.constant 0 : i32
    %dma_start3A_449 = tpu.memref_slice %arg2[%add3A_447, %dma_start3A_448] : memref<12288x1024xf32, #tpu.memory_space<hbm>> -> memref<32x1024xf32, #tpu.memory_space<hbm>>
    %dma_start3A_450 = arith.constant 0 : i32
    %dma_start3A_451 = tpu.memref_slice %arg2[%add3A_447, %dma_start3A_450] : memref<12288x1024xf32, #tpu.memory_space<hbm>> -> memref<32x1024xf32, #tpu.memory_space<hbm>>
    tpu.enqueue_dma source(%dma_start3A_451 : memref<32x1024xf32, #tpu.memory_space<hbm>>) target(%arg7 : memref<32x1024xf32, #tpu.memory_space<vmem>>) target_semaphore(%arg10 : memref<!tpu.dma_semaphore, #tpu.memory_space<semaphore_mem>>)
    %add3A_452 = arith.constant 3 : i32
    %add3A_453 = arith.addi %mul3A_2, %add3A_452 : i32
    %mul3A_454 = arith.constant 96 : i32
    %mul3A_455 = arith.muli %add3A_453, %mul3A_454 : i32
    %add3A_456 = arith.constant 0 : i32
    %add3A_457 = arith.addi %mul3A_455, %add3A_456 : i32
    %dma_wait3A_458 = arith.constant 0 : i32
    %dma_wait3A_459 = tpu.memref_slice %arg2[%add3A_457, %dma_wait3A_458] : memref<12288x1024xf32, #tpu.memory_space<hbm>> -> memref<32x1024xf32, #tpu.memory_space<hbm>>
    %dma_wait3A_460 = arith.constant 0 : i32
    %dma_wait3A_461 = tpu.memref_slice %arg2[%add3A_457, %dma_wait3A_460] : memref<12288x1024xf32, #tpu.memory_space<hbm>> -> memref<32x1024xf32, #tpu.memory_space<hbm>>
    tpu.wait_dma2 semaphore(%arg9 : memref<!tpu.dma_semaphore, #tpu.memory_space<semaphore_mem>>) src(%dma_wait3A_461 : memref<32x1024xf32, #tpu.memory_space<hbm>>) dst(%arg6 : memref<32x1024xf32, #tpu.memory_space<vmem>>)
    %scan3A_462 = arith.constant 0 : i32
    %scan3A_463 = arith.constant 0 : i32
    %scan3A_464 = arith.constant 64 : i32
    %scan3A_465 = arith.addi %scan3A_463, %scan3A_464 : i32
    %scan3A_466 = arith.constant 1 : i32
    %scan3A_467 = scf.for %scan3A_583 = %scan3A_463 to %scan3A_465 step %scan3A_466 iter_args(%scan3A_584 = %scan3A_462) -> (i32)  : i32 {
      %add3A_585 = arith.constant 3 : i32
      %add3A_586 = arith.addi %sub3A_21, %add3A_585 : i32
      %mul3A_587 = arith.constant 16 : i32
      %mul3A_588 = arith.muli %scan3A_583, %mul3A_587 : i32
      %get3A = arith.index_cast %add3A_586 : i32 to index
      %get3A_589 = arith.index_cast %mul3A_588 : i32 to index
      %get3A_590 = tpu.vector_load %arg5[%get3A, %get3A_589] {strides = array<i32>} : memref<8x1024xf32, #tpu.memory_space<vmem>>, vector<1x16xf32>,
      %get3A_591 = vector.shape_cast %get3A_590 : vector<1x16xf32> to vector<16xf32>
      %parallel_loop3A = arith.constant 0 : i32
      %parallel_loop3A_592 = arith.constant 32 : i32
      %parallel_loop3A_593 = arith.constant 1 : i32
      scf.for %parallel_loop3A_595 = %parallel_loop3A to %parallel_loop3A_592 step %parallel_loop3A_593  : i32 {
        %parallel_loop3A_596 = arith.constant 16 : i32
        %parallel_loop3A_597 = arith.muli %scan3A_583, %parallel_loop3A_596 : i32
        %parallel_loop3A_598 = arith.index_cast %parallel_loop3A_595 : i32 to index
        %parallel_loop3A_599 = arith.index_cast %parallel_loop3A_597 : i32 to index
        %parallel_loop3A_600 = tpu.vector_load %arg6[%parallel_loop3A_598, %parallel_loop3A_599] {strides = array<i32>} : memref<32x1024xf32, #tpu.memory_space<vmem>>, vector<1x16xf32>,
        %parallel_loop3A_601 = vector.shape_cast %parallel_loop3A_600 : vector<1x16xf32> to vector<16xf32>
        %parallel_loop3A_602 = arith.mulf %parallel_loop3A_601, %get3A_591 : vector<16xf32>
        %parallel_loop3A_603 = arith.constant 16 : i32
        %parallel_loop3A_604 = arith.muli %scan3A_583, %parallel_loop3A_603 : i32
        %parallel_loop3A_605 = arith.index_cast %parallel_loop3A_595 : i32 to index
        %parallel_loop3A_606 = arith.index_cast %parallel_loop3A_604 : i32 to index
        %parallel_loop3A_607 = tpu.vector_load %arg6[%parallel_loop3A_605, %parallel_loop3A_606] {strides = array<i32>} : memref<32x1024xf32, #tpu.memory_space<vmem>>, vector<1x16xf32>,
        %parallel_loop3A_608 = vector.shape_cast %parallel_loop3A_607 : vector<1x16xf32> to vector<16xf32>
        %parallel_loop3A_609 = vector.shape_cast %parallel_loop3A_602 : vector<16xf32> to vector<1x16xf32>
        tpu.vector_store %arg6[%parallel_loop3A_605, %parallel_loop3A_606], %parallel_loop3A_609 {strides = array<i32>} : memref<32x1024xf32, #tpu.memory_space<vmem>>, vector<1x16xf32>,
      } {sc.loop_unroll_factor = 8 : i64, sc.parallel_access}
      %scan3A_594 = arith.constant 0 : i32
      scf.yield %scan3A_594 : i32
    }
    %scan3A_468 = arith.constant 64 : i32
    %add3A_469 = arith.constant 3 : i32
    %add3A_470 = arith.addi %mul3A_2, %add3A_469 : i32
    %mul3A_471 = arith.constant 96 : i32
    %mul3A_472 = arith.muli %add3A_470, %mul3A_471 : i32
    %add3A_473 = arith.constant 0 : i32
    %add3A_474 = arith.addi %mul3A_472, %add3A_473 : i32
    %dma_start3A_475 = arith.constant 0 : i32
    %dma_start3A_476 = tpu.memref_slice %arg4[%add3A_474, %dma_start3A_475] : memref<12288x1024xf32, #tpu.memory_space<hbm>> -> memref<32x1024xf32, #tpu.memory_space<hbm>>
    %dma_start3A_477 = arith.constant 0 : i32
    %dma_start3A_478 = tpu.memref_slice %arg4[%add3A_474, %dma_start3A_477] : memref<12288x1024xf32, #tpu.memory_space<hbm>> -> memref<32x1024xf32, #tpu.memory_space<hbm>>
    tpu.enqueue_dma source(%arg6 : memref<32x1024xf32, #tpu.memory_space<vmem>>) target(%dma_start3A_478 : memref<32x1024xf32, #tpu.memory_space<hbm>>) target_semaphore(%arg12 : memref<!tpu.dma_semaphore, #tpu.memory_space<semaphore_mem>>)
    %add3A_479 = arith.constant 2 : i32
    %add3A_480 = arith.addi %mul3A_2, %add3A_479 : i32
    %mul3A_481 = arith.constant 96 : i32
    %mul3A_482 = arith.muli %add3A_480, %mul3A_481 : i32
    %add3A_483 = arith.constant 64 : i32
    %add3A_484 = arith.addi %mul3A_482, %add3A_483 : i32
    %dma_wait3A_485 = arith.constant 0 : i32
    %dma_wait3A_486 = tpu.memref_slice %arg4[%add3A_484, %dma_wait3A_485] : memref<12288x1024xf32, #tpu.memory_space<hbm>> -> memref<32x1024xf32, #tpu.memory_space<hbm>>
    %dma_wait3A_487 = arith.constant 0 : i32
    %dma_wait3A_488 = tpu.memref_slice %arg4[%add3A_484, %dma_wait3A_487] : memref<12288x1024xf32, #tpu.memory_space<hbm>> -> memref<32x1024xf32, #tpu.memory_space<hbm>>
    tpu.wait_dma2 semaphore(%arg14 : memref<!tpu.dma_semaphore, #tpu.memory_space<semaphore_mem>>) src(%arg8 : memref<32x1024xf32, #tpu.memory_space<vmem>>) dst(%dma_wait3A_488 : memref<32x1024xf32, #tpu.memory_space<hbm>>)
    %add3A_489 = arith.constant 3 : i32
    %add3A_490 = arith.addi %mul3A_2, %add3A_489 : i32
    %mul3A_491 = arith.constant 96 : i32
    %mul3A_492 = arith.muli %add3A_490, %mul3A_491 : i32
    %add3A_493 = arith.constant 64 : i32
    %add3A_494 = arith.addi %mul3A_492, %add3A_493 : i32
    %dma_start3A_495 = arith.constant 0 : i32
    %dma_start3A_496 = tpu.memref_slice %arg2[%add3A_494, %dma_start3A_495] : memref<12288x1024xf32, #tpu.memory_space<hbm>> -> memref<32x1024xf32, #tpu.memory_space<hbm>>
    %dma_start3A_497 = arith.constant 0 : i32
    %dma_start3A_498 = tpu.memref_slice %arg2[%add3A_494, %dma_start3A_497] : memref<12288x1024xf32, #tpu.memory_space<hbm>> -> memref<32x1024xf32, #tpu.memory_space<hbm>>
    tpu.enqueue_dma source(%dma_start3A_498 : memref<32x1024xf32, #tpu.memory_space<hbm>>) target(%arg8 : memref<32x1024xf32, #tpu.memory_space<vmem>>) target_semaphore(%arg11 : memref<!tpu.dma_semaphore, #tpu.memory_space<semaphore_mem>>)
    %add3A_499 = arith.constant 3 : i32
    %add3A_500 = arith.addi %mul3A_2, %add3A_499 : i32
    %mul3A_501 = arith.constant 96 : i32
    %mul3A_502 = arith.muli %add3A_500, %mul3A_501 : i32
    %add3A_503 = arith.constant 32 : i32
    %add3A_504 = arith.addi %mul3A_502, %add3A_503 : i32
    %dma_wait3A_505 = arith.constant 0 : i32
    %dma_wait3A_506 = tpu.memref_slice %arg2[%add3A_504, %dma_wait3A_505] : memref<12288x1024xf32, #tpu.memory_space<hbm>> -> memref<32x1024xf32, #tpu.memory_space<hbm>>
    %dma_wait3A_507 = arith.constant 0 : i32
    %dma_wait3A_508 = tpu.memref_slice %arg2[%add3A_504, %dma_wait3A_507] : memref<12288x1024xf32, #tpu.memory_space<hbm>> -> memref<32x1024xf32, #tpu.memory_space<hbm>>
    tpu.wait_dma2 semaphore(%arg10 : memref<!tpu.dma_semaphore, #tpu.memory_space<semaphore_mem>>) src(%dma_wait3A_508 : memref<32x1024xf32, #tpu.memory_space<hbm>>) dst(%arg7 : memref<32x1024xf32, #tpu.memory_space<vmem>>)
    %scan3A_509 = arith.constant 0 : i32
    %scan3A_510 = arith.constant 0 : i32
    %scan3A_511 = arith.constant 64 : i32
    %scan3A_512 = arith.addi %scan3A_510, %scan3A_511 : i32
    %scan3A_513 = arith.constant 1 : i32
    %scan3A_514 = scf.for %scan3A_583 = %scan3A_510 to %scan3A_512 step %scan3A_513 iter_args(%scan3A_584 = %scan3A_509) -> (i32)  : i32 {
      %add3A_585 = arith.constant 3 : i32
      %add3A_586 = arith.addi %sub3A_21, %add3A_585 : i32
      %mul3A_587 = arith.constant 16 : i32
      %mul3A_588 = arith.muli %scan3A_583, %mul3A_587 : i32
      %get3A = arith.index_cast %add3A_586 : i32 to index
      %get3A_589 = arith.index_cast %mul3A_588 : i32 to index
      %get3A_590 = tpu.vector_load %arg5[%get3A, %get3A_589] {strides = array<i32>} : memref<8x1024xf32, #tpu.memory_space<vmem>>, vector<1x16xf32>,
      %get3A_591 = vector.shape_cast %get3A_590 : vector<1x16xf32> to vector<16xf32>
      %parallel_loop3A = arith.constant 0 : i32
      %parallel_loop3A_592 = arith.constant 32 : i32
      %parallel_loop3A_593 = arith.constant 1 : i32
      scf.for %parallel_loop3A_595 = %parallel_loop3A to %parallel_loop3A_592 step %parallel_loop3A_593  : i32 {
        %parallel_loop3A_596 = arith.constant 16 : i32
        %parallel_loop3A_597 = arith.muli %scan3A_583, %parallel_loop3A_596 : i32
        %parallel_loop3A_598 = arith.index_cast %parallel_loop3A_595 : i32 to index
        %parallel_loop3A_599 = arith.index_cast %parallel_loop3A_597 : i32 to index
        %parallel_loop3A_600 = tpu.vector_load %arg7[%parallel_loop3A_598, %parallel_loop3A_599] {strides = array<i32>} : memref<32x1024xf32, #tpu.memory_space<vmem>>, vector<1x16xf32>,
        %parallel_loop3A_601 = vector.shape_cast %parallel_loop3A_600 : vector<1x16xf32> to vector<16xf32>
        %parallel_loop3A_602 = arith.mulf %parallel_loop3A_601, %get3A_591 : vector<16xf32>
        %parallel_loop3A_603 = arith.constant 16 : i32
        %parallel_loop3A_604 = arith.muli %scan3A_583, %parallel_loop3A_603 : i32
        %parallel_loop3A_605 = arith.index_cast %parallel_loop3A_595 : i32 to index
        %parallel_loop3A_606 = arith.index_cast %parallel_loop3A_604 : i32 to index
        %parallel_loop3A_607 = tpu.vector_load %arg7[%parallel_loop3A_605, %parallel_loop3A_606] {strides = array<i32>} : memref<32x1024xf32, #tpu.memory_space<vmem>>, vector<1x16xf32>,
        %parallel_loop3A_608 = vector.shape_cast %parallel_loop3A_607 : vector<1x16xf32> to vector<16xf32>
        %parallel_loop3A_609 = vector.shape_cast %parallel_loop3A_602 : vector<16xf32> to vector<1x16xf32>
        tpu.vector_store %arg7[%parallel_loop3A_605, %parallel_loop3A_606], %parallel_loop3A_609 {strides = array<i32>} : memref<32x1024xf32, #tpu.memory_space<vmem>>, vector<1x16xf32>,
      } {sc.loop_unroll_factor = 8 : i64, sc.parallel_access}
      %scan3A_594 = arith.constant 0 : i32
      scf.yield %scan3A_594 : i32
    }
    %scan3A_515 = arith.constant 64 : i32
    %add3A_516 = arith.constant 3 : i32
    %add3A_517 = arith.addi %mul3A_2, %add3A_516 : i32
    %mul3A_518 = arith.constant 96 : i32
    %mul3A_519 = arith.muli %add3A_517, %mul3A_518 : i32
    %add3A_520 = arith.constant 32 : i32
    %add3A_521 = arith.addi %mul3A_519, %add3A_520 : i32
    %dma_start3A_522 = arith.constant 0 : i32
    %dma_start3A_523 = tpu.memref_slice %arg4[%add3A_521, %dma_start3A_522] : memref<12288x1024xf32, #tpu.memory_space<hbm>> -> memref<32x1024xf32, #tpu.memory_space<hbm>>
    %dma_start3A_524 = arith.constant 0 : i32
    %dma_start3A_525 = tpu.memref_slice %arg4[%add3A_521, %dma_start3A_524] : memref<12288x1024xf32, #tpu.memory_space<hbm>> -> memref<32x1024xf32, #tpu.memory_space<hbm>>
    tpu.enqueue_dma source(%arg7 : memref<32x1024xf32, #tpu.memory_space<vmem>>) target(%dma_start3A_525 : memref<32x1024xf32, #tpu.memory_space<hbm>>) target_semaphore(%arg13 : memref<!tpu.dma_semaphore, #tpu.memory_space<semaphore_mem>>)
    %add3A_526 = arith.constant 3 : i32
    %add3A_527 = arith.addi %mul3A_2, %add3A_526 : i32
    %mul3A_528 = arith.constant 96 : i32
    %mul3A_529 = arith.muli %add3A_527, %mul3A_528 : i32
    %add3A_530 = arith.constant 64 : i32
    %add3A_531 = arith.addi %mul3A_529, %add3A_530 : i32
    %dma_wait3A_532 = arith.constant 0 : i32
    %dma_wait3A_533 = tpu.memref_slice %arg2[%add3A_531, %dma_wait3A_532] : memref<12288x1024xf32, #tpu.memory_space<hbm>> -> memref<32x1024xf32, #tpu.memory_space<hbm>>
    %dma_wait3A_534 = arith.constant 0 : i32
    %dma_wait3A_535 = tpu.memref_slice %arg2[%add3A_531, %dma_wait3A_534] : memref<12288x1024xf32, #tpu.memory_space<hbm>> -> memref<32x1024xf32, #tpu.memory_space<hbm>>
    tpu.wait_dma2 semaphore(%arg11 : memref<!tpu.dma_semaphore, #tpu.memory_space<semaphore_mem>>) src(%dma_wait3A_535 : memref<32x1024xf32, #tpu.memory_space<hbm>>) dst(%arg8 : memref<32x1024xf32, #tpu.memory_space<vmem>>)
    %scan3A_536 = arith.constant 0 : i32
    %scan3A_537 = arith.constant 0 : i32
    %scan3A_538 = arith.constant 64 : i32
    %scan3A_539 = arith.addi %scan3A_537, %scan3A_538 : i32
    %scan3A_540 = arith.constant 1 : i32
    %scan3A_541 = scf.for %scan3A_583 = %scan3A_537 to %scan3A_539 step %scan3A_540 iter_args(%scan3A_584 = %scan3A_536) -> (i32)  : i32 {
      %add3A_585 = arith.constant 3 : i32
      %add3A_586 = arith.addi %sub3A_21, %add3A_585 : i32
      %mul3A_587 = arith.constant 16 : i32
      %mul3A_588 = arith.muli %scan3A_583, %mul3A_587 : i32
      %get3A = arith.index_cast %add3A_586 : i32 to index
      %get3A_589 = arith.index_cast %mul3A_588 : i32 to index
      %get3A_590 = tpu.vector_load %arg5[%get3A, %get3A_589] {strides = array<i32>} : memref<8x1024xf32, #tpu.memory_space<vmem>>, vector<1x16xf32>,
      %get3A_591 = vector.shape_cast %get3A_590 : vector<1x16xf32> to vector<16xf32>
      %parallel_loop3A = arith.constant 0 : i32
      %parallel_loop3A_592 = arith.constant 32 : i32
      %parallel_loop3A_593 = arith.constant 1 : i32
      scf.for %parallel_loop3A_595 = %parallel_loop3A to %parallel_loop3A_592 step %parallel_loop3A_593  : i32 {
        %parallel_loop3A_596 = arith.constant 16 : i32
        %parallel_loop3A_597 = arith.muli %scan3A_583, %parallel_loop3A_596 : i32
        %parallel_loop3A_598 = arith.index_cast %parallel_loop3A_595 : i32 to index
        %parallel_loop3A_599 = arith.index_cast %parallel_loop3A_597 : i32 to index
        %parallel_loop3A_600 = tpu.vector_load %arg8[%parallel_loop3A_598, %parallel_loop3A_599] {strides = array<i32>} : memref<32x1024xf32, #tpu.memory_space<vmem>>, vector<1x16xf32>,
        %parallel_loop3A_601 = vector.shape_cast %parallel_loop3A_600 : vector<1x16xf32> to vector<16xf32>
        %parallel_loop3A_602 = arith.mulf %parallel_loop3A_601, %get3A_591 : vector<16xf32>
        %parallel_loop3A_603 = arith.constant 16 : i32
        %parallel_loop3A_604 = arith.muli %scan3A_583, %parallel_loop3A_603 : i32
        %parallel_loop3A_605 = arith.index_cast %parallel_loop3A_595 : i32 to index
        %parallel_loop3A_606 = arith.index_cast %parallel_loop3A_604 : i32 to index
        %parallel_loop3A_607 = tpu.vector_load %arg8[%parallel_loop3A_605, %parallel_loop3A_606] {strides = array<i32>} : memref<32x1024xf32, #tpu.memory_space<vmem>>, vector<1x16xf32>,
        %parallel_loop3A_608 = vector.shape_cast %parallel_loop3A_607 : vector<1x16xf32> to vector<16xf32>
        %parallel_loop3A_609 = vector.shape_cast %parallel_loop3A_602 : vector<16xf32> to vector<1x16xf32>
        tpu.vector_store %arg8[%parallel_loop3A_605, %parallel_loop3A_606], %parallel_loop3A_609 {strides = array<i32>} : memref<32x1024xf32, #tpu.memory_space<vmem>>, vector<1x16xf32>,
      } {sc.loop_unroll_factor = 8 : i64, sc.parallel_access}
      %scan3A_594 = arith.constant 0 : i32
      scf.yield %scan3A_594 : i32
    }
    %scan3A_542 = arith.constant 64 : i32
    %add3A_543 = arith.constant 3 : i32
    %add3A_544 = arith.addi %mul3A_2, %add3A_543 : i32
    %mul3A_545 = arith.constant 96 : i32
    %mul3A_546 = arith.muli %add3A_544, %mul3A_545 : i32
    %add3A_547 = arith.constant 64 : i32
    %add3A_548 = arith.addi %mul3A_546, %add3A_547 : i32
    %dma_start3A_549 = arith.constant 0 : i32
    %dma_start3A_550 = tpu.memref_slice %arg4[%add3A_548, %dma_start3A_549] : memref<12288x1024xf32, #tpu.memory_space<hbm>> -> memref<32x1024xf32, #tpu.memory_space<hbm>>
    %dma_start3A_551 = arith.constant 0 : i32
    %dma_start3A_552 = tpu.memref_slice %arg4[%add3A_548, %dma_start3A_551] : memref<12288x1024xf32, #tpu.memory_space<hbm>> -> memref<32x1024xf32, #tpu.memory_space<hbm>>
    tpu.enqueue_dma source(%arg8 : memref<32x1024xf32, #tpu.memory_space<vmem>>) target(%dma_start3A_552 : memref<32x1024xf32, #tpu.memory_space<hbm>>) target_semaphore(%arg14 : memref<!tpu.dma_semaphore, #tpu.memory_space<semaphore_mem>>)
    %add3A_553 = arith.constant 3 : i32
    %add3A_554 = arith.addi %mul3A_2, %add3A_553 : i32
    %mul3A_555 = arith.constant 96 : i32
    %mul3A_556 = arith.muli %add3A_554, %mul3A_555 : i32
    %add3A_557 = arith.constant 0 : i32
    %add3A_558 = arith.addi %mul3A_556, %add3A_557 : i32
    %dma_wait3A_559 = arith.constant 0 : i32
    %dma_wait3A_560 = tpu.memref_slice %arg4[%add3A_558, %dma_wait3A_559] : memref<12288x1024xf32, #tpu.memory_space<hbm>> -> memref<32x1024xf32, #tpu.memory_space<hbm>>
    %dma_wait3A_561 = arith.constant 0 : i32
    %dma_wait3A_562 = tpu.memref_slice %arg4[%add3A_558, %dma_wait3A_561] : memref<12288x1024xf32, #tpu.memory_space<hbm>> -> memref<32x1024xf32, #tpu.memory_space<hbm>>
    tpu.wait_dma2 semaphore(%arg12 : memref<!tpu.dma_semaphore, #tpu.memory_space<semaphore_mem>>) src(%arg6 : memref<32x1024xf32, #tpu.memory_space<vmem>>) dst(%dma_wait3A_562 : memref<32x1024xf32, #tpu.memory_space<hbm>>)
    %add3A_563 = arith.constant 3 : i32
    %add3A_564 = arith.addi %mul3A_2, %add3A_563 : i32
    %mul3A_565 = arith.constant 96 : i32
    %mul3A_566 = arith.muli %add3A_564, %mul3A_565 : i32
    %add3A_567 = arith.constant 32 : i32
    %add3A_568 = arith.addi %mul3A_566, %add3A_567 : i32
    %dma_wait3A_569 = arith.constant 0 : i32
    %dma_wait3A_570 = tpu.memref_slice %arg4[%add3A_568, %dma_wait3A_569] : memref<12288x1024xf32, #tpu.memory_space<hbm>> -> memref<32x1024xf32, #tpu.memory_space<hbm>>
    %dma_wait3A_571 = arith.constant 0 : i32
    %dma_wait3A_572 = tpu.memref_slice %arg4[%add3A_568, %dma_wait3A_571] : memref<12288x1024xf32, #tpu.memory_space<hbm>> -> memref<32x1024xf32, #tpu.memory_space<hbm>>
    tpu.wait_dma2 semaphore(%arg13 : memref<!tpu.dma_semaphore, #tpu.memory_space<semaphore_mem>>) src(%arg7 : memref<32x1024xf32, #tpu.memory_space<vmem>>) dst(%dma_wait3A_572 : memref<32x1024xf32, #tpu.memory_space<hbm>>)
    %add3A_573 = arith.constant 3 : i32
    %add3A_574 = arith.addi %mul3A_2, %add3A_573 : i32
    %mul3A_575 = arith.constant 96 : i32
    %mul3A_576 = arith.muli %add3A_574, %mul3A_575 : i32
    %add3A_577 = arith.constant 64 : i32
    %add3A_578 = arith.addi %mul3A_576, %add3A_577 : i32
    %dma_wait3A_579 = arith.constant 0 : i32
    %dma_wait3A_580 = tpu.memref_slice %arg4[%add3A_578, %dma_wait3A_579] : memref<12288x1024xf32, #tpu.memory_space<hbm>> -> memref<32x1024xf32, #tpu.memory_space<hbm>>
    %dma_wait3A_581 = arith.constant 0 : i32
    %dma_wait3A_582 = tpu.memref_slice %arg4[%add3A_578, %dma_wait3A_581] : memref<12288x1024xf32, #tpu.memory_space<hbm>> -> memref<32x1024xf32, #tpu.memory_space<hbm>>
    tpu.wait_dma2 semaphore(%arg14 : memref<!tpu.dma_semaphore, #tpu.memory_space<semaphore_mem>>) src(%arg8 : memref<32x1024xf32, #tpu.memory_space<vmem>>) dst(%dma_wait3A_582 : memref<32x1024xf32, #tpu.memory_space<hbm>>)
    return
  }
}

module attributes {stable_mosaic.version = 14 : i64} {
  func.func @_lambda_(%arg0: memref<128x1024xf32, #tpu.memory_space<vmem>>, %arg1: memref<128x1024xf32, #tpu.memory_space<vmem>>) attributes {dimension_semantics = [], scalar_prefetch = 0 : i64, scratch_operands = 0 : i64, tpu.core_type = #tpu.core_type<tc>} {
    %get3A = arith.constant 0 : index
    %get3A_0 = arith.constant 0 : index
    %get3A_1 = vector.load %arg0[%get3A, %get3A_0] : memref<128x1024xf32, #tpu.memory_space<vmem>>, vector<128x1024xf32>
    %bitcast_convert_type3A = tpu.bitcast %get3A_1 : vector<128x1024xf32> -> vector<128x1024xi32>
    %broadcast_in_dim3A = arith.constant 0 : i32
    %broadcast_in_dim3A_2 = vector.broadcast %broadcast_in_dim3A : i32 to vector<128x1xi32>
    %broadcast_in_dim3A_3 = arith.constant 1073741824 : i32
    %broadcast_in_dim3A_4 = vector.broadcast %broadcast_in_dim3A_3 : i32 to vector<128x1xi32>
    %scan3A = arith.constant 0 : i32
    %scan3A_5 = arith.constant 30 : i32
    %scan3A_6 = arith.addi %scan3A, %scan3A_5 : i32
    %scan3A_7 = arith.constant 1 : i32
    %scan3A_8:2 = scf.for %scan3A_29 = %scan3A to %scan3A_6 step %scan3A_7 iter_args(%scan3A_30 = %broadcast_in_dim3A_2, %scan3A_31 = %broadcast_in_dim3A_4) -> (vector<128x1xi32>, vector<128x1xi32>)  : i32 {
      %sub3A_32 = arith.subi %scan3A_31, %scan3A_30 : vector<128x1xi32>
      %jit3A = arith.constant 2 : i32
      %div3A = vector.broadcast %jit3A : i32 to vector<128x1xi32>
      %div3A_33 = arith.divsi %sub3A_32, %div3A : vector<128x1xi32>
      %sign3A = arith.constant 0 : i32
      %sign3A_34 = vector.broadcast %sign3A : i32 to vector<128x1xi32>
      %sign3A_35 = arith.cmpi sgt, %sub3A_32, %sign3A_34 : vector<128x1xi32>
      %sign3A_36 = arith.extui %sign3A_35 : vector<128x1xi1> to vector<128x1xi32>
      %sign3A_37 = arith.constant 0 : i32
      %sign3A_38 = vector.broadcast %sign3A_37 : i32 to vector<128x1xi32>
      %sign3A_39 = arith.cmpi slt, %sub3A_32, %sign3A_38 : vector<128x1xi32>
      %sign3A_40 = arith.extui %sign3A_39 : vector<128x1xi1> to vector<128x1xi32>
      %sign3A_41 = arith.subi %sign3A_36, %sign3A_40 : vector<128x1xi32>
      %sign3A_42 = arith.constant 0 : i32
      %sign3A_43 = arith.cmpi sgt, %jit3A, %sign3A_42 : i32
      %sign3A_44 = arith.extui %sign3A_43 : i1 to i32
      %sign3A_45 = arith.constant 0 : i32
      %sign3A_46 = arith.cmpi slt, %jit3A, %sign3A_45 : i32
      %sign3A_47 = arith.extui %sign3A_46 : i1 to i32
      %sign3A_48 = arith.subi %sign3A_44, %sign3A_47 : i32
      %ne3A = vector.broadcast %sign3A_48 : i32 to vector<128x1xi32>
      %ne3A_49 = arith.cmpi ne, %sign3A_41, %ne3A : vector<128x1xi32>
      %rem3A = vector.broadcast %jit3A : i32 to vector<128x1xi32>
      %rem3A_50 = arith.remsi %sub3A_32, %rem3A : vector<128x1xi32>
      %ne3A_51 = arith.constant 0 : i32
      %ne3A_52 = vector.broadcast %ne3A_51 : i32 to vector<128x1xi32>
      %ne3A_53 = arith.cmpi ne, %rem3A_50, %ne3A_52 : vector<128x1xi32>
      %and3A_54 = arith.andi %ne3A_49, %ne3A_53 : vector<128x1xi1>
      %sub3A_55 = arith.constant 1 : i32
      %sub3A_56 = vector.broadcast %sub3A_55 : i32 to vector<128x1xi32>
      %sub3A_57 = arith.subi %div3A_33, %sub3A_56 : vector<128x1xi32>
      %select_n3A = arith.select %and3A_54, %sub3A_57, %div3A_33 : vector<128x1xi1>, vector<128x1xi32>
      %add3A = arith.addi %scan3A_30, %select_n3A : vector<128x1xi32>
      %le3A = vector.broadcast %add3A : vector<128x1xi32> to vector<128x1024xi32>
      %le3A_58 = arith.cmpi sle, %bitcast_convert_type3A, %le3A : vector<128x1024xi32>
      %convert_element_type3A_59 = arith.extui %le3A_58 : vector<128x1024xi1> to vector<128x1024xi32>
      %reduce_sum3A_60 = arith.constant dense<0> : vector<128xi32>
      %reduce_sum3A_61 = vector.multi_reduction <add>, %convert_element_type3A_59, %reduce_sum3A_60 [1] : vector<128x1024xi32> to vector<128xi32>
      %broadcast_in_dim3A_62 = vector.shape_cast %reduce_sum3A_61 : vector<128xi32> to vector<128x1xi32>
      %ge3A = arith.constant 256 : i32
      %ge3A_63 = vector.broadcast %ge3A : i32 to vector<128x1xi32>
      %ge3A_64 = arith.cmpi sge, %broadcast_in_dim3A_62, %ge3A_63 : vector<128x1xi32>
      %add3A_65 = arith.constant 1 : i32
      %add3A_66 = vector.broadcast %add3A_65 : i32 to vector<128x1xi32>
      %add3A_67 = arith.addi %add3A, %add3A_66 : vector<128x1xi32>
      %select_n3A_68 = arith.select %ge3A_64, %scan3A_30, %add3A_67 : vector<128x1xi1>, vector<128x1xi32>
      %select_n3A_69 = arith.select %ge3A_64, %add3A, %scan3A_31 : vector<128x1xi1>, vector<128x1xi32>
      scf.yield %select_n3A_68, %select_n3A_69 : vector<128x1xi32>, vector<128x1xi32>
    }
    %lt3A = vector.broadcast %scan3A_8#0 : vector<128x1xi32> to vector<128x1024xi32>
    %lt3A_9 = arith.cmpi slt, %bitcast_convert_type3A, %lt3A : vector<128x1024xi32>
    %eq3A = vector.broadcast %scan3A_8#0 : vector<128x1xi32> to vector<128x1024xi32>
    %eq3A_10 = arith.cmpi eq, %bitcast_convert_type3A, %eq3A : vector<128x1024xi32>
    %convert_element_type3A = arith.extui %lt3A_9 : vector<128x1024xi1> to vector<128x1024xi32>
    %reduce_sum3A = arith.constant dense<0> : vector<128xi32>
    %reduce_sum3A_11 = vector.multi_reduction <add>, %convert_element_type3A, %reduce_sum3A [1] : vector<128x1024xi32> to vector<128xi32>
    %broadcast_in_dim3A_12 = vector.shape_cast %reduce_sum3A_11 : vector<128xi32> to vector<128x1xi32>
    %sub3A = arith.constant 256 : i32
    %sub3A_13 = vector.broadcast %sub3A : i32 to vector<128x1xi32>
    %sub3A_14 = arith.subi %sub3A_13, %broadcast_in_dim3A_12 : vector<128x1xi32>
    %convert_element_type3A_15 = arith.sitofp %sub3A_14 : vector<128x1xi32> to vector<128x1xf32>
    %iota3A = tpu.iota {dimensions = array<i32: 0>} : vector<1024x1024xi32>
    %iota3A_16 = tpu.iota {dimensions = array<i32: 1>} : vector<1024x1024xi32>
    %lt3A_17 = arith.cmpi slt, %iota3A, %iota3A_16 : vector<1024x1024xi32>
    %convert_element_type3A_18 = arith.extui %lt3A_17 : vector<1024x1024xi1> to vector<1024x1024xi32>
    %convert_element_type3A_19 = arith.sitofp %convert_element_type3A_18 : vector<1024x1024xi32> to vector<1024x1024xf32>
    %convert_element_type3A_20 = arith.extui %eq3A_10 : vector<128x1024xi1> to vector<128x1024xi32>
    %convert_element_type3A_21 = arith.sitofp %convert_element_type3A_20 : vector<128x1024xi32> to vector<128x1024xf32>
    %dot_general3A = arith.constant dense<0.000000e+00> : vector<128x1024xf32>
    %dot_general3A_22 = tpu.matmul %convert_element_type3A_21, %convert_element_type3A_19, %dot_general3A {dimension_numbers = #tpu.dot_dimension_numbers<[1], [0], [0], [1], [0, 0, 1, 1], [], []>, transpose_lhs_hint = false} : vector<128x1024xf32>, vector<1024x1024xf32>, vector<128x1024xf32> -> vector<128x1024xf32>
    %lt3A_23 = vector.broadcast %convert_element_type3A_15 : vector<128x1xf32> to vector<128x1024xf32>
    %lt3A_24 = arith.cmpf olt, %dot_general3A_22, %lt3A_23 : vector<128x1024xf32>
    %and3A = arith.andi %eq3A_10, %lt3A_24 : vector<128x1024xi1>
    %or3A = arith.ori %lt3A_9, %and3A : vector<128x1024xi1>
    %convert_element_type3A_25 = arith.extui %or3A : vector<128x1024xi1> to vector<128x1024xi32>
    %convert_element_type3A_26 = arith.sitofp %convert_element_type3A_25 : vector<128x1024xi32> to vector<128x1024xf32>
    %swap3A = arith.constant 0 : index
    %swap3A_27 = arith.constant 0 : index
    %swap3A_28 = vector.load %arg1[%swap3A, %swap3A_27] : memref<128x1024xf32, #tpu.memory_space<vmem>>, vector<128x1024xf32>
    tpu.vector_store %arg1[%swap3A, %swap3A_27], %convert_element_type3A_26 {strides = array<i32>} : memref<128x1024xf32, #tpu.memory_space<vmem>>, vector<128x1024xf32>,
    return
  }
}

</mosaic_0001>

<sc_bundles>
// kernel: kernel.4.cloned.1.call-start
scs
__scs_entry_jumppad:
0x0: {  	(pc) =	sbr.rel $0x88, $3  }
0x1: {  	(tag) =	ssettag $0x0;
	lr =	simm.s32 $0x1  }
0x2: {  	[smem:$0x3F9F] =	sst lr;
	_ =	strace $0xD0000000  }
0x3: {  	_ = 	snop  }
0x4: {  	_ = 	snop  }
0x5: {  	_ = 	snop  }
0x6: {  	_ = 	snop  }
0x7: {  	_ = 	snop  }
__scs_overlays_trampoline_lowered:
0x8: {  	[smem:$0x3FAE] =	sst s0  }
0x9: {  	[smem:$0x3FAF] =	sst s1  }
0xa: {  	[smem:$0x3FB0] =	sst s2  }
0xb: {  	[smem:$0x3FB1] =	sst s3  }
0xc: {  	[smem:$0x3FB2] =	sst s4  }
0xd: {  	[smem:$0x3FB3] =	sst s5  }
0xe: {  	[smem:$0x3FB4] =	sst s6  }
0xf: {  	[smem:$0x3FB5] =	sst s7  }
0x10: {  	[smem:$0x3FB6] =	sst s8  }
0x11: {  	[smem:$0x3FB7] =	sst s9;
	s0 =	simm.s32 @!p0 $0x0  }
0x12: {  	s1 =	sld [smem:$0x3F9D];
	s0 =	simm.s32 @p0 $0x1  }
0x13: {  	[smem:$0x3FB8] =	sst s0;
	s0 =	simm.s32 @!p1 $0x0  }
0x14: {  	s2 =	sld [smem:$0x3F9C];
	s0 =	simm.s32 @p1 $0x1  }
0x15: {  	[smem:$0x3FB9] =	sst s0;
	s0 =	simm.s32 @!p2 $0x0  }
0x16: {  	s3 =	sld [smem:$0x3FDB];
	s0 =	simm.s32 @p2 $0x1  }
0x17: {  	s4 =	simm.s32 $0x1BF5;
	[smem:$0x3FBB] =	sst s0  }
0x18: {  	s0 =	sld [smem:$0x3F9E];
	_ =	swait.ge [sflag:s4], $0x0  }
0x19: {  	s7 =	sld [smem:$0x3F9F]  }
0x1a: {  	s8 =	sadd.s32 $0xFFFFE003, lr  }
0x1b: {  	s9 =	sadd.s32 $0xFFFFFEF7, lr;
	s5 =	simm.s32 $0xFFFFFFFF;
	p2 =	slt.u32 s8, $0xFFFFF086  }
0x1c: {  	p1 =	slt.u32 s9, $0xF7A;
	s5 =	simm.s32 @!p2 $0x0  }
0x1d: {  	s5 =	simm.s32 @p1 $0x1;
	p0 =	seq.s32 s7, s2  }
0x1e: {  	s7 =	smul.u32 @!p0 $0xF7A, s2;
	p2 =	seq.s32 @!p0 s5, $0x0  }
0x1f: {  	s9 =	smul.u32 $0xF7A, s1;
	s8 =	simm.s32 @!p0 $0x1BF5;
	p2 =	por !p2, p0  }
0x20: {  	[sflag:s8] =	ssyncset.s32 @!p0 $0xFFFFF086;
	s6 =	sadd.s32 @!p0 s3, s7;
	s7 =	simm.s32 @!p0 $0x108  }
0x21: {  	s3 =	sadd.s32 s3, s9;
	s6 =	sadd.s32 @!p0 $0x88, s6;
	s7 =	simm.s32 @p2 $0x1082  }
0x22: {  	[simem:s7], [sflag:s8] =	dma.local @!p0 [hbm:s6], $0xF7A  }
0x23: {  	s9 =	sor.u32 $0xD0000000, s2;
	s6 =	simm.s32 $0x108;
	_ =	swait.ge @!p0 [sflag:s8], $0x0  }
0x24: {  	s3 =	sadd.s32 $0x88, s3;
	s6 =	simm.s32 @!p1 $0x1082;
	[sflag:s4] =	ssyncset.s32 $0xFFFFF086  }
0x25: {  	[simem:s6], [sflag:s4] =	dma.local [hbm:s3], $0xF7A  }
0x26: {  	[smem:$0x3F9F] =	sst s1;
	(tag) =	ssettag s2;
	_ =	strace s9  }
0x27: {  	s1 =	sld [smem:$0x3FAF]  }
0x28: {  	s2 =	sld [smem:$0x3FB0]  }
0x29: {  	s4 =	sld [smem:$0x3FB2]  }
0x2a: {  	p0 =	seq.s32 s5, $0x0;
	s5 =	sld [smem:$0x3FB3]  }
0x2b: {  	s6 =	sld [smem:$0x3FB4]  }
0x2c: {  	s7 =	sld [smem:$0x3FB5]  }
0x2d: {  	s3 =	simm.s32 $0x108;
	s8 =	sld [smem:$0x3FB6]  }
0x2e: {  	s3 =	simm.s32 @!p0 $0x1082;
	s9 =	sld [smem:$0x3FB7]  }
0x2f: {  	lr =	sadd.s32 s0, s3;
	s0 =	sld [smem:$0x3FAE]  }
0x30: {  	s3 =	sld [smem:$0x3FB1]  }
0x31: {  	[smem:$0x3FBA] =	sst s10  }
0x32: {  	s10 =	sld [smem:$0x3FB8];
	_ =	sdelay $0x3  }
0x33: {  	p0 =	seq.s32 s10, $0x1;
	s10 =	sld [smem:$0x3FBA];
	_ =	sdelay $0x3  }
0x34: {  	[smem:$0x3FBA] =	sst s10  }
0x35: {  	s10 =	sld [smem:$0x3FB9];
	_ =	sdelay $0x3  }
0x36: {  	p1 =	seq.s32 s10, $0x1;
	s10 =	sld [smem:$0x3FBA];
	_ =	sdelay $0x3  }
0x37: {  	[smem:$0x3FBA] =	sst s10  }
0x38: {  	s10 =	sld [smem:$0x3FBB]  }
0x39: {  	_ = 	snop;
	(pc) =	sbr.ind lr, $3  }
0x3a: {  	_ = 	snop  }
0x3b: {  	_ = 	snop  }
0x3c: {  	p2 =	seq.s32 s10, $0x1;
	s10 =	sld [smem:$0x3FBA]  }
0x3d: {  	_ =	shalt  }
0x3e: {  	_ =	shalt  }
0x3f: {  	_ =	shalt  }
0x40: {  	_ =	shalt  }
0x41: {  	_ =	shalt  }
0x42: {  	_ =	shalt  }
0x43: {  	_ =	shalt  }
0x44: {  	_ =	shalt  }
0x45: {  	_ =	shalt  }
0x46: {  	_ =	shalt  }
0x47: {  	_ =	shalt  }
0x48: {  	_ =	shalt  }
0x49: {  	_ =	shalt  }
0x4a: {  	_ =	shalt  }
0x4b: {  	_ =	shalt  }
0x4c: {  	_ =	shalt  }
0x4d: {  	_ =	shalt  }
0x4e: {  	_ =	shalt  }
0x4f: {  	_ =	shalt  }
0x50: {  	_ =	shalt  }
0x51: {  	_ =	shalt  }
0x52: {  	_ =	shalt  }
0x53: {  	_ =	shalt  }
0x54: {  	_ =	shalt  }
0x55: {  	_ =	shalt  }
0x56: {  	_ =	shalt  }
0x57: {  	_ =	shalt  }
0x58: {  	_ =	shalt  }
0x59: {  	_ =	shalt  }
0x5a: {  	_ =	shalt  }
0x5b: {  	_ =	shalt  }
0x5c: {  	_ =	shalt  }
0x5d: {  	_ =	shalt  }
0x5e: {  	_ =	shalt  }
0x5f: {  	_ =	shalt  }
0x60: {  	_ =	shalt  }
0x61: {  	_ =	shalt  }
0x62: {  	_ =	shalt  }
0x63: {  	_ =	shalt  }
0x64: {  	_ =	shalt  }
0x65: {  	_ =	shalt  }
0x66: {  	_ =	shalt  }
0x67: {  	_ =	shalt  }
0x68: {  	_ =	shalt  }
0x69: {  	_ =	shalt  }
0x6a: {  	_ =	shalt  }
0x6b: {  	_ =	shalt  }
0x6c: {  	_ =	shalt  }
0x6d: {  	_ =	shalt  }
0x6e: {  	_ =	shalt  }
0x6f: {  	_ =	shalt  }
0x70: {  	_ =	shalt  }
0x71: {  	_ =	shalt  }
0x72: {  	_ =	shalt  }
0x73: {  	_ =	shalt  }
0x74: {  	_ =	shalt  }
0x75: {  	_ =	shalt  }
0x76: {  	_ =	shalt  }
0x77: {  	_ =	shalt  }
0x78: {  	_ =	shalt  }
0x79: {  	_ =	shalt  }
0x7a: {  	_ =	shalt  }
0x7b: {  	_ =	shalt  }
0x7c: {  	_ =	shalt  }
0x7d: {  	_ =	shalt  }
0x7e: {  	_ =	shalt  }
0x7f: {  	_ =	shalt  }
0x80: {  	_ =	shalt  }
0x81: {  	_ =	shalt  }
0x82: {  	_ =	shalt  }
0x83: {  	_ =	shalt  }
0x84: {  	_ =	shalt  }
0x85: {  	_ =	shalt  }
0x86: {  	_ =	shalt  }
0x87: {  	_ =	shalt  }
.Lfunc_end0:
.L_simem_size_0:
called_computation.1_lowered:
.L_overlay_start_0:
0x88: {  	s2 =	sld [smem:$0x3FD9]  }
0x89: {  	s3 =	sld [smem:$0x3FFE];
	_ =	sdelay $0x1  }
0x8a: {  	s1 =	srdreg.scid  }
0x8b: {  	s0 =	sand.u32 $0x1, s1  }
0x8c: {  	s17 =	sshll.u32 s0, $0xA;
	s2 =	sadd.s32 s3, s2  }
0x8d: {  	s2 =	sadd.s32 s2, s17  }
0x8e: {  	[smem:$0x3FC6] =	sst s2  }
0x8f: {  	_ = 	snop  }
0x90: {  	s2 =	sld [smem:$0x3FD0];
	(tm) =	ssettm $0x1  }
0x91: {  	s18 =	sld [smem:$0x3FFB];
	_ =	sdelay $0x3  }
0x92: {  	_ =	strace s18  }
0x93: {  	s3 =	sld [smem:$0x3FFC];
	_ =	sdelay $0x3  }
0x94: {  	_ =	strace s3  }
0x95: {  	s3 =	sld [smem:$0x3FFD];
	_ =	sdelay $0x3  }
0x96: {  	_ =	strace s3  }
0x97: {  	_ =	strace $0x8FFFFFFF  }
0x98: {  	s19 =	sld [smem:$0x3FDB];
	_ =	sdelay $0x1  }
0x99: {  	s4 =	simm.s32 $_scs_section_size  }
0x9a: {  	s5 =	simm.s32 $_size__tile_overlayer_lowered;
	s6 =	simm.s32 $_tile_overlayer_lowered  }
0x9b: {  	s22 =	simm.s32 $0x1BFF;
	s21 =	sshll.u32 s6, $0x1;
	s3 =	sadd.s32 s4, s19  }
0x9c: {  	s7 =	simm.s32 $0x0;
	s20 =	sshll.u32 s5, $0x1;
	s5 =	sadd.s32 s21, s3  }
0x9d: {  	[timem:s7], [sflag:s22] =	dma.local [hbm:s5], s20  }
0x9e: {  	_ =	swait.ge [sflag:s22], s20  }
0x9f: {  	s4 =	ssub.s32 $0x0, s20;
	[sflag:s22] =	ssyncset.done $0x0  }
0xa0: {  	[sflag:s22] =	ssyncadd.s32 s4;
	_ =	sdelay $0x1  }
0xa1: {  	s23 =	simm.s32 $0x1B8B  }
0xa2: {  	_ =	swait.ge [sflag:s23], $0x1  }
0xa3: {  	[sflag:s23] =	ssyncset.done $0x0  }
0xa4: {  	s25 =	simm.s32 $0x1B8E;
	s24 =	sld [smem:$0x3FFE];
	[sflag:s23] =	ssyncadd.s32 $0xFFFFFFFF  }
0xa5: {  	s26 =	simm.s32 $execute0_lowered;
	[smem:$0x3FD2] =	sst s25  }
0xa6: {  	s5 =	sshll.u32 s26, $0x1;
	_ =	strace $0x80000046;
	[dreg:$0x1] =	wrdreg $0xFFFFFFFF  }
0xa7: {  	s28 =	simm.s32 $_size_execute0_lowered;
	s3 =	sadd.s32 s3, s5;
	[dreg:$0x0] =	wrdreg $0x0  }
0xa8: {  	s5 =	sshll.u32 s28, $0x1;
	[dreg:$0x2] =	wrdreg s3  }
0xa9: {  	[dreg:$0x3] =	wrdreg s5  }
0xaa: {  	[dreg:$0x4] =	wrdreg $0xC0  }
0xab: {  	_ =	task [dreg:s7], $0x5FFFF  }
0xac: {  	[dreg:$0x1] =	wrdreg $0xFFFFFFFF  }
0xad: {  	[dreg:$0x0] =	wrdreg $0x60  }
0xae: {  	[dreg:$0x2] =	wrdreg s24  }
0xaf: {  	[dreg:$0x3] =	wrdreg s2  }
0xb0: {  	[dreg:$0x4] =	wrdreg $0x9  }
0xb1: {  	_ =	task.clear_ibuf [dreg:s7], $0x5FFFF;
	_ =	strace $0x90000046  }
0xb2: {  	s29 =	simm.s32 $0x9;
	_ =	strace $0x80000048  }
0xb3: {  	_ =	swait.ge [sflag:s29], $0x1  }
0xb4: {  	[sflag:s29] =	ssyncadd.s32 $0xFFFFFFFF  }
0xb5: {  	_ =	strace $0x90000048  }
0xb6: {  	_ =	sfence  }
0xb7: {  	s30 =	sld [smem:$0x0];
	_ =	sdelay $0x2  }
0xb8: {  	s31 =	sshll.u32 s1, $0xD;
	s1 =	sshrl.u32 s1, $0x2  }
0xb9: {  	s3 =	sand.u32 $0x4000, s31;
	s1 =	sadd.s32 s1, s30  }
0xba: {  	s0 =	sor.u32 s3, s0;
	s1 =	sshll.u32 s1, $0x11  }
0xbb: {  	s0 =	sor.u32 s1, s0  }
0xbc: {  	s0 =	sadd.s32 $0x8F2B, s0  }
0xbd: {  	[sflag:s0] =	ssyncadd.remote.s32 $0x1  }
0xbe: {  	_ =	sfence.sel $0xFFFF  }
0xbf: {  	[dreg:$0x0] =	wrdreg $0xFFFFFFFF;
	(pc) =	sbr.abs _section_cstart, $3  }
0xc0: {  	[dreg:$0x1] =	wrdreg $0xFFFFFFFF  }
0xc1: {  	_ =	task.clear_ibuf [dreg:s7], $0x2FFFF;
	_ =	strace $0x9FFFFFFF  }
0xc2: {  	(tm) =	ssettm $0x7FFFFFFF  }
0xc3: {  	_ =	shalt  }
tec
execute0_lowered:
.L_overlay_start_1:
0x0: {  	(tag) =	ssettag $0x1  }
0x1: {  	s0 =	srdreg.scid;
	s3 =	rddreg [dreg:$0x0]  }
0x2: {  	s10 =	stileid.u32;
	s4 =	rddreg [dreg:$0x1];
	s5 =	simm.s32 $0x1  }
0x3: {  	s31 =	simm.s32 $0x1;
	s0 =	sand.u32 $0x1, s0;
	s20 =	sand.u32 $0x1, s10  }
0x4: {  	s6 =	sadd.s32 $0xC00, s3;
	s3 =	sadd.s32 $0x180C00, s3;
	s1 =	sshll.u32 s0, $0x4  }
0x5: {  	p1 =	seq.s32 s20, $0x1;
	s0 =	ssub.s32 $0x2, s0;
	s2 =	sor.u32 s10, s1  }
0x6: {  	s1 =	simm.s32 $0x0;
	s21 =	sshrl.u32 s0, $0x1;
	p0 =	seq.s32 s2, $0x0  }
0x7: {  	[smem:$0x7FF] =	sst s1;
	s7 =	sshrl.u32 s2, $0x1;
	s9 =	smul.u32 $0xC000, s2  }
0x8: {  	s0 =	ssub.s32 s0, s21;
	s24 =	sshll.u32 s2, $0xC;
	s2 =	smul.u32 $0x60000, s2  }
0x9: {  	p0 =	por !p0, !p1;
	s30 =	smax.u32 s0, $0x1;
	s0 =	simm.s32 $0x2000  }
0xa: {  	p0 =	por !p0, !p0;
	s23 =	sor.u32 $0x1000, s9;
	s25 =	sadd.s32 s6, s9  }
0xb: {  	s11 =	sadd.s32 s3, s9;
	s13 =	sor.u32 $0x3000, s9;
	s2 =	sshrl.u32 s2, $0x3  }
0xc: {  	s20 =	sadd.s32 $0x6000, s9;
	s5 =	simm.s32 @!p0 $0x0;
	[dreg:$0x4] =	wrdreg s25  }
0xd: {  	s26 =	sadd.s32 s6, s23;
	[dreg:$0x6] =	wrdreg s11;
	s14 =	sadd.s32 s6, s13  }
0xe: {  	s16 =	sadd.s32 $0x4000, s2;
	s18 =	sadd.s32 $0x5000, s2;
	[dreg:$0x5] =	wrdreg s26  }
0xf: {  	s21 =	sadd.s32 s6, s20;
	s25 =	sadd.s32 $0x9000, s9;
	[dreg:$0x9] =	wrdreg s14  }
0x10: {  	s5 =	ssub.s32 s7, s5;
	s17 =	sadd.s32 s6, s16;
	[dreg:$0xf] =	wrdreg s21  }
0x11: {  	s19 =	sadd.s32 s6, s18;
	s7 =	sadd.s32 s3, s16;
	[dreg:$0xb] =	wrdreg s17  }
0x12: {  	s21 =	sadd.s32 s6, s25;
	s26 =	sadd.s32 $0xA000, s2;
	[dreg:$0xd] =	wrdreg s19  }
0x13: {  	s8 =	sshll.u32 s5, $0xA;
	s5 =	sshll.u32 s5, $0xD;
	[dreg:$0xe] =	wrdreg s7  }
0x14: {  	s17 =	sadd.s32 s3, s20;
	s7 =	simm.s32 $0x5;
	s22 =	sand.u32 $0x1FFFFC00, s8  }
0x15: {  	s5 =	ssub.s32 s24, s5;
	s8 =	sshll.u32 s10, $0x9;
	s10 =	sor.u32 $0x2000, s9  }
0x16: {  	s24 =	sadd.s32 $0x8000, s2;
	s9 =	simm.s32 $0x0;
	s4 =	sadd.s32 s4, s22  }
0x17: {  	s5 =	sor.u32 s8, s5;
	s12 =	sadd.s32 s6, s10;
	s15 =	sadd.s32 s3, s10  }
0x18: {  	s22 =	sadd.s32 $0x7000, s2;
	s19 =	sadd.s32 s6, s24;
	s20 =	sadd.s32 s3, s24  }
0x19: {  	s2 =	sadd.s32 $0xB000, s2;
	s24 =	sadd.s32 s6, s26;
	[dreg:$0x3] =	wrdreg s4  }
0x1a: {  	s26 =	sadd.s32 s3, s26;
	s8 =	simm.s32 $0x6;
	[dreg:$0x7] =	wrdreg s12  }
0x1b: {  	s4 =	sadd.s32 s3, s23;
	[dreg:$0xa] =	wrdreg s15;
	s23 =	sadd.s32 s6, s22  }
0x1c: {  	s28 =	sadd.s32 s3, s2;
	s29 =	sand.u32 $0xFFFFE200, s5;
	[dreg:$0x8] =	wrdreg s4  }
0x1d: {  	s5 =	simm.s32 $0x4;
	s4 =	sadd.s32 s3, s13;
	[dreg:$0x11] =	wrdreg s23  }
0x1e: {  	s23 =	sadd.s32 s3, s25;
	s25 =	sadd.s32 s6, s2;
	s2 =	simm.s32 $0xA000  }
0x1f: {  	s6 =	simm.s32 $0x3;
	[dreg:$0xc] =	wrdreg s4;
	s4 =	sadd.s32 s3, s18  }
0x20: {  	s18 =	sadd.s32 s3, s22;
	s22 =	simm.s32 $0x7;
	[dreg:$0x10] =	wrdreg s4  }
0x21: {  	s3 =	simm.s32 $0x12000;
	s4 =	simm.s32 $0x2;
	_ =	strace $0x80000047  }
.LBB2_1:
0x22: {  	s10 =	rddreg [dreg:$0x3]  }
0x23: {  	[tilespmem:s1], [sflag:$0x7] =	stream.linear.gather [hbm4b:s10+s1], $0x2000, $0x38;
	[tilespmem:$0x1A000] =	vst v63  }
0x24: {  	_ =	swait.ge [sflag:s22], $0x2000  }
0x25: {  	[sflag:s22] =	ssyncset.done $0x0  }
0x26: {  	s15 =	rddreg [dreg:$0x4];
	[sflag:s22] =	ssyncadd.s32 $0xFFFFE000  }
0x27: {  	[tilespmem:s0], [sflag:$0x1] =	stream.linear.gather [hbm4b:s15+s1], $0x8000, $0x38;
	[tilespmem:$0x1A000] =	vst v63  }
0x28: {  	s16 =	rddreg [dreg:$0x5]  }
0x29: {  	[tilespmem:s2], [sflag:$0x2] =	stream.linear.gather [hbm4b:s16+s1], $0x8000, $0x38;
	[tilespmem:$0x1A000] =	vst v63  }
0x2a: {  	_ =	swait.ge [sflag:s31], $0x8000  }
0x2b: {  	s11 =	simm.s32 $0x0;
	[sflag:s31] =	ssyncset.done $0x0  }
0x2c: {  	s12 =	simm.s32 $0x0;
	s10 =	simm.s32 $0x0;
	[sflag:s31] =	ssyncadd.s32 $0xFFFF8000  }
.LBB2_2:
0x2d: {  	s13 =	sshll.u32 s11, $0x2  }
0x2e: {  	s14 =	sand.u32 $0x7, s10;
	s15 =	sshll.u32 s12, $0x7;
	s16 =	sshll.u32 s12, $0x4  }
0x2f: {  	s13 =	sand.u32 $0xFFFFF000, s13;
	s14 =	sshll.u32 s14, $0x6;
	s15 =	sand.u32 $0x1C00, s15  }
0x30: {  	s16 =	sand.u32 $0x70, s16;
	s13 =	sor.u32 s14, s13;
	s15 =	sadd.s32 s15, s29  }
0x31: {  	s13 =	sshrl.u32 s13, $0x2;
	s14 =	sadd.s32 s16, s15  }
0x32: {  	s13 =	sadd.s32 $0x2200, s13;
	v0 =	vld [tilespmem:s14+$0x0]  }
0x33: {  	v3 =	vld [tilespmem:s13+$0x180]  }
0x34: {  	v5 =	vld [tilespmem:s13+$0xFFFFFE80]  }
0x35: {  	v7 =	vld [tilespmem:s13+$0xFFFFFF00]  }
0x36: {  	v4 =	vld [tilespmem:s13+$0xFFFFFF80]  }
0x37: {  	v2 =	vld [tilespmem:s13+$0x0]  }
0x38: {  	v1 =	vld [tilespmem:s13+$0x80];
	v8 =	vmul.f32 v3, v0  }
0x39: {  	v3 =	vld [tilespmem:s13+$0x100];
	v6 =	vmul.f32 v5, v0  }
0x3a: {  	s14 =	simm.s32 $0x0;
	s15 =	sadd.s32 $0x2000, s13;
	v5 =	vld [tilespmem:s13+$0xFFFFFE00];
	v7 =	vmul.f32 v7, v0;
	[tilespmem:s13+$0x180] =	vst v8  }
.LBB2_3:
0x3b: {  	v8 =	vld [tilespmem:s15+$0x180];
	s14 =	sadd.s32 $0x8, s14;
	[tilespmem:s13+$0xFFFFFE80] =	vst v6;
	v4 =	vmul.f32 v4, v0  }
0x3c: {  	v6 =	vld [tilespmem:s15+$0xFFFFFE80];
	p0 =	slt.u32 s14, $0x18;
	[tilespmem:s13+$0xFFFFFF00] =	vst v7;
	v2 =	vmul.f32 v2, v0  }
0x3d: {  	v7 =	vld [tilespmem:s15+$0xFFFFFF00];
	[tilespmem:s13+$0xFFFFFF80] =	vst v4;
	v1 =	vmul.f32 v1, v0  }
.Ltmp0:
0x3e: {  	v4 =	vld [tilespmem:s15+$0xFFFFFF80];
	[tilespmem:s13+$0x0] =	vst v2;
	v3 =	vmul.f32 v3, v0;
	(pc) =	sbr.rel @p0 .LBB2_3-.Ltmp0, $4  }
0x3f: {  	v2 =	vld [tilespmem:s15+$0x0];
	v5 =	vmul.f32 v5, v0;
	[tilespmem:s13+$0x80] =	vst v1  }
0x40: {  	v1 =	vld [tilespmem:s15+$0x80];
	v8 =	vmul.f32 v8, v0;
	[tilespmem:s13+$0x100] =	vst v3  }
0x41: {  	v6 =	vmul.f32 v6, v0;
	v3 =	vld [tilespmem:s15+$0x100];
	[tilespmem:s13+$0xFFFFFE00] =	vst v5;
	s13 =	smov.u32 s15  }
0x42: {  	s15 =	sadd.s32 $0x2000, s15;
	v5 =	vld [tilespmem:s13+$0xFFFFFE00];
	v7 =	vmul.f32 v7, v0;
	[tilespmem:s13+$0x180] =	vst v8  }
0x43: {  	[tilespmem:s13+$0xFFFFFE80] =	vst v6;
	v4 =	vmul.f32 v4, v0;
	s12 =	sadd.s32 $0x1, s12  }
0x44: {  	[tilespmem:s13+$0xFFFFFF00] =	vst v7;
	v2 =	vmul.f32 v2, v0;
	p0 =	sne.s32 s12, $0x40  }
.Ltmp1:
0x45: {  	[tilespmem:s13+$0xFFFFFF80] =	vst v4;
	v1 =	vmul.f32 v1, v0;
	(pc) =	sbr.rel @p0 .LBB2_2-.Ltmp1, $4  }
0x46: {  	[tilespmem:s13+$0x0] =	vst v2;
	v62 =	vmul.f32 v3, v0  }
0x47: {  	v63 =	vmul.f32 v5, v0;
	[tilespmem:s13+$0x80] =	vst v1  }
0x48: {  	[tilespmem:s13+$0x100] =	vst v62  }
0x49: {  	s11 =	sadd.s32 $0x80, s11;
	s10 =	sadd.s32 $0x1, s10;
	[tilespmem:s13+$0xFFFFFE00] =	vst v63  }
0x4a: {  	s10 =	simm.s32 $0x0;
	s11 =	rddreg [dreg:$0x6]  }
0x4b: {  	[hbm4b:s11+s10] =	stream.linear.scatter [tilespmem:s0], [sflag:$0x4], $0x8000, $0x38;
	[tilespmem:$0x1A000] =	vst v63  }
0x4c: {  	s16 =	rddreg [dreg:$0x7]  }
0x4d: {  	[tilespmem:s3], [sflag:$0x3] =	stream.linear.gather [hbm4b:s16+s10], $0x8000, $0x38;
	[tilespmem:$0x1A000] =	vst v63  }
0x4e: {  	_ =	swait.ge [sflag:s4], $0x8000  }
0x4f: {  	[sflag:s4] =	ssyncset.done $0x0  }
0x50: {  	s12 =	simm.s32 $0x0;
	s11 =	simm.s32 $0x0;
	[sflag:s4] =	ssyncadd.s32 $0xFFFF8000  }
.LBB2_6:
0x51: {  	s13 =	sshll.u32 s11, $0x2  }
0x52: {  	s14 =	sand.u32 $0x7, s10;
	s15 =	sshll.u32 s12, $0x7;
	s16 =	sshll.u32 s12, $0x4  }
0x53: {  	s13 =	sand.u32 $0xFFFFF000, s13;
	s14 =	sshll.u32 s14, $0x6;
	s15 =	sand.u32 $0x1C00, s15  }
0x54: {  	s16 =	sand.u32 $0x70, s16;
	s13 =	sor.u32 s14, s13;
	s15 =	sadd.s32 s15, s29  }
0x55: {  	s13 =	sshrl.u32 s13, $0x2;
	s14 =	sadd.s32 s16, s15  }
0x56: {  	s13 =	sadd.s32 $0xA200, s13;
	v0 =	vld [tilespmem:s14+$0x0]  }
0x57: {  	v3 =	vld [tilespmem:s13+$0x180]  }
0x58: {  	v5 =	vld [tilespmem:s13+$0xFFFFFE80]  }
0x59: {  	v7 =	vld [tilespmem:s13+$0xFFFFFF00]  }
0x5a: {  	v4 =	vld [tilespmem:s13+$0xFFFFFF80]  }
0x5b: {  	v2 =	vld [tilespmem:s13+$0x0]  }
0x5c: {  	v1 =	vld [tilespmem:s13+$0x80];
	v8 =	vmul.f32 v3, v0  }
0x5d: {  	v3 =	vld [tilespmem:s13+$0x100];
	v6 =	vmul.f32 v5, v0  }
0x5e: {  	s14 =	simm.s32 $0x0;
	s15 =	sadd.s32 $0x2000, s13;
	v5 =	vld [tilespmem:s13+$0xFFFFFE00];
	v7 =	vmul.f32 v7, v0;
	[tilespmem:s13+$0x180] =	vst v8  }
.LBB2_7:
0x5f: {  	v8 =	vld [tilespmem:s15+$0x180];
	s14 =	sadd.s32 $0x8, s14;
	[tilespmem:s13+$0xFFFFFE80] =	vst v6;
	v4 =	vmul.f32 v4, v0  }
0x60: {  	v6 =	vld [tilespmem:s15+$0xFFFFFE80];
	p0 =	slt.u32 s14, $0x18;
	[tilespmem:s13+$0xFFFFFF00] =	vst v7;
	v2 =	vmul.f32 v2, v0  }
0x61: {  	v7 =	vld [tilespmem:s15+$0xFFFFFF00];
	[tilespmem:s13+$0xFFFFFF80] =	vst v4;
	v1 =	vmul.f32 v1, v0  }
.Ltmp2:
0x62: {  	v4 =	vld [tilespmem:s15+$0xFFFFFF80];
	[tilespmem:s13+$0x0] =	vst v2;
	v3 =	vmul.f32 v3, v0;
	(pc) =	sbr.rel @p0 .LBB2_7-.Ltmp2, $4  }
0x63: {  	v2 =	vld [tilespmem:s15+$0x0];
	v5 =	vmul.f32 v5, v0;
	[tilespmem:s13+$0x80] =	vst v1  }
0x64: {  	v1 =	vld [tilespmem:s15+$0x80];
	v8 =	vmul.f32 v8, v0;
	[tilespmem:s13+$0x100] =	vst v3  }
0x65: {  	v6 =	vmul.f32 v6, v0;
	v3 =	vld [tilespmem:s15+$0x100];
	[tilespmem:s13+$0xFFFFFE00] =	vst v5;
	s13 =	smov.u32 s15  }
0x66: {  	s15 =	sadd.s32 $0x2000, s15;
	v5 =	vld [tilespmem:s13+$0xFFFFFE00];
	v7 =	vmul.f32 v7, v0;
	[tilespmem:s13+$0x180] =	vst v8  }
0x67: {  	[tilespmem:s13+$0xFFFFFE80] =	vst v6;
	v4 =	vmul.f32 v4, v0;
	s12 =	sadd.s32 $0x1, s12  }
0x68: {  	[tilespmem:s13+$0xFFFFFF00] =	vst v7;
	v2 =	vmul.f32 v2, v0;
	p0 =	sne.s32 s12, $0x40  }
.Ltmp3:
0x69: {  	[tilespmem:s13+$0xFFFFFF80] =	vst v4;
	v1 =	vmul.f32 v1, v0;
	(pc) =	sbr.rel @p0 .LBB2_6-.Ltmp3, $4  }
0x6a: {  	[tilespmem:s13+$0x0] =	vst v2;
	v62 =	vmul.f32 v3, v0  }
0x6b: {  	v63 =	vmul.f32 v5, v0;
	[tilespmem:s13+$0x80] =	vst v1  }
0x6c: {  	[tilespmem:s13+$0x100] =	vst v62  }
0x6d: {  	s11 =	sadd.s32 $0x80, s11;
	s10 =	sadd.s32 $0x1, s10;
	[tilespmem:s13+$0xFFFFFE00] =	vst v63  }
0x6e: {  	s10 =	simm.s32 $0x0;
	s11 =	rddreg [dreg:$0x8]  }
0x6f: {  	[hbm4b:s11+s10] =	stream.linear.scatter [tilespmem:s2], [sflag:$0x5], $0x8000, $0x38;
	[tilespmem:$0x1A000] =	vst v63  }
0x70: {  	_ =	swait.ge [sflag:s5], $0x8000  }
0x71: {  	[sflag:s5] =	ssyncset.done $0x0  }
0x72: {  	s16 =	rddreg [dreg:$0x9];
	[sflag:s5] =	ssyncadd.s32 $0xFFFF8000  }
0x73: {  	[tilespmem:s0], [sflag:$0x1] =	stream.linear.gather [hbm4b:s16+s10], $0x8000, $0x38;
	[tilespmem:$0x1A000] =	vst v63  }
0x74: {  	_ =	swait.ge [sflag:s6], $0x8000  }
0x75: {  	[sflag:s6] =	ssyncset.done $0x0  }
0x76: {  	s12 =	simm.s32 $0x0;
	s11 =	simm.s32 $0x0;
	[sflag:s6] =	ssyncadd.s32 $0xFFFF8000  }
.LBB2_10:
0x77: {  	s13 =	sshll.u32 s11, $0x2  }
0x78: {  	s14 =	sand.u32 $0x7, s10;
	s15 =	sshll.u32 s12, $0x7;
	s16 =	sshll.u32 s12, $0x4  }
0x79: {  	s13 =	sand.u32 $0xFFFFF000, s13;
	s14 =	sshll.u32 s14, $0x6;
	s15 =	sand.u32 $0x1C00, s15  }
0x7a: {  	s16 =	sand.u32 $0x70, s16;
	s13 =	sor.u32 s14, s13;
	s15 =	sadd.s32 s15, s29  }
0x7b: {  	s13 =	sshrl.u32 s13, $0x2;
	s14 =	sadd.s32 s16, s15  }
0x7c: {  	s13 =	sadd.s32 $0x12200, s13;
	v0 =	vld [tilespmem:s14+$0x0]  }
0x7d: {  	v3 =	vld [tilespmem:s13+$0x180]  }
0x7e: {  	v5 =	vld [tilespmem:s13+$0xFFFFFE80]  }
0x7f: {  	v7 =	vld [tilespmem:s13+$0xFFFFFF00]  }
0x80: {  	v4 =	vld [tilespmem:s13+$0xFFFFFF80]  }
0x81: {  	v2 =	vld [tilespmem:s13+$0x0]  }
0x82: {  	v1 =	vld [tilespmem:s13+$0x80];
	v8 =	vmul.f32 v3, v0  }
0x83: {  	v3 =	vld [tilespmem:s13+$0x100];
	v6 =	vmul.f32 v5, v0  }
0x84: {  	s14 =	simm.s32 $0x0;
	s15 =	sadd.s32 $0x2000, s13;
	v5 =	vld [tilespmem:s13+$0xFFFFFE00];
	v7 =	vmul.f32 v7, v0;
	[tilespmem:s13+$0x180] =	vst v8  }
.LBB2_11:
0x85: {  	v8 =	vld [tilespmem:s15+$0x180];
	s14 =	sadd.s32 $0x8, s14;
	[tilespmem:s13+$0xFFFFFE80] =	vst v6;
	v4 =	vmul.f32 v4, v0  }
0x86: {  	v6 =	vld [tilespmem:s15+$0xFFFFFE80];
	p0 =	slt.u32 s14, $0x18;
	[tilespmem:s13+$0xFFFFFF00] =	vst v7;
	v2 =	vmul.f32 v2, v0  }
0x87: {  	v7 =	vld [tilespmem:s15+$0xFFFFFF00];
	[tilespmem:s13+$0xFFFFFF80] =	vst v4;
	v1 =	vmul.f32 v1, v0  }
.Ltmp4:
0x88: {  	v4 =	vld [tilespmem:s15+$0xFFFFFF80];
	[tilespmem:s13+$0x0] =	vst v2;
	v3 =	vmul.f32 v3, v0;
	(pc) =	sbr.rel @p0 .LBB2_11-.Ltmp4, $4  }
0x89: {  	v2 =	vld [tilespmem:s15+$0x0];
	v5 =	vmul.f32 v5, v0;
	[tilespmem:s13+$0x80] =	vst v1  }
0x8a: {  	v1 =	vld [tilespmem:s15+$0x80];
	v8 =	vmul.f32 v8, v0;
	[tilespmem:s13+$0x100] =	vst v3  }
0x8b: {  	v6 =	vmul.f32 v6, v0;
	v3 =	vld [tilespmem:s15+$0x100];
	[tilespmem:s13+$0xFFFFFE00] =	vst v5;
	s13 =	smov.u32 s15  }
0x8c: {  	s15 =	sadd.s32 $0x2000, s15;
	v5 =	vld [tilespmem:s13+$0xFFFFFE00];
	v7 =	vmul.f32 v7, v0;
	[tilespmem:s13+$0x180] =	vst v8  }
0x8d: {  	[tilespmem:s13+$0xFFFFFE80] =	vst v6;
	v4 =	vmul.f32 v4, v0;
	s12 =	sadd.s32 $0x1, s12  }
0x8e: {  	[tilespmem:s13+$0xFFFFFF00] =	vst v7;
	v2 =	vmul.f32 v2, v0;
	p0 =	sne.s32 s12, $0x40  }
.Ltmp5:
0x8f: {  	[tilespmem:s13+$0xFFFFFF80] =	vst v4;
	v1 =	vmul.f32 v1, v0;
	(pc) =	sbr.rel @p0 .LBB2_10-.Ltmp5, $4  }
0x90: {  	[tilespmem:s13+$0x0] =	vst v2;
	v62 =	vmul.f32 v3, v0  }
0x91: {  	v63 =	vmul.f32 v5, v0;
	[tilespmem:s13+$0x80] =	vst v1  }
0x92: {  	[tilespmem:s13+$0x100] =	vst v62  }
0x93: {  	s11 =	sadd.s32 $0x80, s11;
	s10 =	sadd.s32 $0x1, s10;
	[tilespmem:s13+$0xFFFFFE00] =	vst v63  }
0x94: {  	s10 =	simm.s32 $0x0;
	s11 =	rddreg [dreg:$0xa]  }
0x95: {  	[hbm4b:s11+s10] =	stream.linear.scatter [tilespmem:s3], [sflag:$0x6], $0x8000, $0x38;
	[tilespmem:$0x1A000] =	vst v63  }
0x96: {  	_ =	swait.ge [sflag:s7], $0x8000  }
0x97: {  	[sflag:s7] =	ssyncset.done $0x0  }
0x98: {  	s16 =	rddreg [dreg:$0xb];
	[sflag:s7] =	ssyncadd.s32 $0xFFFF8000  }
0x99: {  	[tilespmem:s2], [sflag:$0x2] =	stream.linear.gather [hbm4b:s16+s10], $0x8000, $0x38;
	[tilespmem:$0x1A000] =	vst v63  }
0x9a: {  	_ =	swait.ge [sflag:s31], $0x8000  }
0x9b: {  	[sflag:s31] =	ssyncset.done $0x0  }
0x9c: {  	s12 =	simm.s32 $0x0;
	s11 =	simm.s32 $0x0;
	[sflag:s31] =	ssyncadd.s32 $0xFFFF8000  }
.LBB2_14:
0x9d: {  	s13 =	sshll.u32 s11, $0x2  }
0x9e: {  	s14 =	sand.u32 $0x7, s10;
	s15 =	sshll.u32 s12, $0x7;
	s16 =	sshll.u32 s12, $0x4  }
0x9f: {  	s13 =	sand.u32 $0xFFFFF000, s13;
	s14 =	sshll.u32 s14, $0x6;
	s15 =	sand.u32 $0x1C00, s15  }
0xa0: {  	s16 =	sand.u32 $0x70, s16;
	s13 =	sor.u32 s14, s13;
	s15 =	sadd.s32 s15, s29  }
0xa1: {  	s13 =	sshrl.u32 s13, $0x2;
	s14 =	sadd.s32 s16, s15  }
0xa2: {  	s13 =	sadd.s32 $0x2200, s13;
	v0 =	vld [tilespmem:s14+$0x80]  }
0xa3: {  	v3 =	vld [tilespmem:s13+$0x180]  }
0xa4: {  	v5 =	vld [tilespmem:s13+$0xFFFFFE80]  }
0xa5: {  	v7 =	vld [tilespmem:s13+$0xFFFFFF00]  }
0xa6: {  	v4 =	vld [tilespmem:s13+$0xFFFFFF80]  }
0xa7: {  	v2 =	vld [tilespmem:s13+$0x0]  }
0xa8: {  	v1 =	vld [tilespmem:s13+$0x80];
	v8 =	vmul.f32 v3, v0  }
0xa9: {  	v3 =	vld [tilespmem:s13+$0x100];
	v6 =	vmul.f32 v5, v0  }
0xaa: {  	s14 =	simm.s32 $0x0;
	s15 =	sadd.s32 $0x2000, s13;
	v5 =	vld [tilespmem:s13+$0xFFFFFE00];
	v7 =	vmul.f32 v7, v0;
	[tilespmem:s13+$0x180] =	vst v8  }
.LBB2_15:
0xab: {  	v8 =	vld [tilespmem:s15+$0x180];
	s14 =	sadd.s32 $0x8, s14;
	[tilespmem:s13+$0xFFFFFE80] =	vst v6;
	v4 =	vmul.f32 v4, v0  }
0xac: {  	v6 =	vld [tilespmem:s15+$0xFFFFFE80];
	p0 =	slt.u32 s14, $0x18;
	[tilespmem:s13+$0xFFFFFF00] =	vst v7;
	v2 =	vmul.f32 v2, v0  }
0xad: {  	v7 =	vld [tilespmem:s15+$0xFFFFFF00];
	[tilespmem:s13+$0xFFFFFF80] =	vst v4;
	v1 =	vmul.f32 v1, v0  }
.Ltmp6:
0xae: {  	v4 =	vld [tilespmem:s15+$0xFFFFFF80];
	[tilespmem:s13+$0x0] =	vst v2;
	v3 =	vmul.f32 v3, v0;
	(pc) =	sbr.rel @p0 .LBB2_15-.Ltmp6, $4  }
0xaf: {  	v2 =	vld [tilespmem:s15+$0x0];
	v5 =	vmul.f32 v5, v0;
	[tilespmem:s13+$0x80] =	vst v1  }
0xb0: {  	v1 =	vld [tilespmem:s15+$0x80];
	v8 =	vmul.f32 v8, v0;
	[tilespmem:s13+$0x100] =	vst v3  }
0xb1: {  	v6 =	vmul.f32 v6, v0;
	v3 =	vld [tilespmem:s15+$0x100];
	[tilespmem:s13+$0xFFFFFE00] =	vst v5;
	s13 =	smov.u32 s15  }
0xb2: {  	s15 =	sadd.s32 $0x2000, s15;
	v5 =	vld [tilespmem:s13+$0xFFFFFE00];
	v7 =	vmul.f32 v7, v0;
	[tilespmem:s13+$0x180] =	vst v8  }
0xb3: {  	[tilespmem:s13+$0xFFFFFE80] =	vst v6;
	v4 =	vmul.f32 v4, v0;
	s12 =	sadd.s32 $0x1, s12  }
0xb4: {  	[tilespmem:s13+$0xFFFFFF00] =	vst v7;
	v2 =	vmul.f32 v2, v0;
	p0 =	sne.s32 s12, $0x40  }
.Ltmp7:
0xb5: {  	[tilespmem:s13+$0xFFFFFF80] =	vst v4;
	v1 =	vmul.f32 v1, v0;
	(pc) =	sbr.rel @p0 .LBB2_14-.Ltmp7, $4  }
0xb6: {  	[tilespmem:s13+$0x0] =	vst v2;
	v62 =	vmul.f32 v3, v0  }
0xb7: {  	v63 =	vmul.f32 v5, v0;
	[tilespmem:s13+$0x80] =	vst v1  }
0xb8: {  	[tilespmem:s13+$0x100] =	vst v62  }
0xb9: {  	s11 =	sadd.s32 $0x80, s11;
	s10 =	sadd.s32 $0x1, s10;
	[tilespmem:s13+$0xFFFFFE00] =	vst v63  }
0xba: {  	s10 =	simm.s32 $0x0;
	s11 =	rddreg [dreg:$0xc]  }
0xbb: {  	[hbm4b:s11+s10] =	stream.linear.scatter [tilespmem:s0], [sflag:$0x4], $0x8000, $0x38;
	[tilespmem:$0x1A000] =	vst v63  }
0xbc: {  	_ =	swait.ge [sflag:s8], $0x8000  }
0xbd: {  	[sflag:s8] =	ssyncset.done $0x0  }
0xbe: {  	s16 =	rddreg [dreg:$0xd];
	[sflag:s8] =	ssyncadd.s32 $0xFFFF8000  }
0xbf: {  	[tilespmem:s3], [sflag:$0x3] =	stream.linear.gather [hbm4b:s16+s10], $0x8000, $0x38;
	[tilespmem:$0x1A000] =	vst v63  }
0xc0: {  	_ =	swait.ge [sflag:s4], $0x8000  }
0xc1: {  	[sflag:s4] =	ssyncset.done $0x0  }
0xc2: {  	s12 =	simm.s32 $0x0;
	s11 =	simm.s32 $0x0;
	[sflag:s4] =	ssyncadd.s32 $0xFFFF8000  }
.LBB2_18:
0xc3: {  	s13 =	sshll.u32 s11, $0x2  }
0xc4: {  	s14 =	sand.u32 $0x7, s10;
	s15 =	sshll.u32 s12, $0x7;
	s16 =	sshll.u32 s12, $0x4  }
0xc5: {  	s13 =	sand.u32 $0xFFFFF000, s13;
	s14 =	sshll.u32 s14, $0x6;
	s15 =	sand.u32 $0x1C00, s15  }
0xc6: {  	s16 =	sand.u32 $0x70, s16;
	s13 =	sor.u32 s14, s13;
	s15 =	sadd.s32 s15, s29  }
0xc7: {  	s13 =	sshrl.u32 s13, $0x2;
	s14 =	sadd.s32 s16, s15  }
0xc8: {  	s13 =	sadd.s32 $0xA200, s13;
	v0 =	vld [tilespmem:s14+$0x80]  }
0xc9: {  	v3 =	vld [tilespmem:s13+$0x180]  }
0xca: {  	v5 =	vld [tilespmem:s13+$0xFFFFFE80]  }
0xcb: {  	v7 =	vld [tilespmem:s13+$0xFFFFFF00]  }
0xcc: {  	v4 =	vld [tilespmem:s13+$0xFFFFFF80]  }
0xcd: {  	v2 =	vld [tilespmem:s13+$0x0]  }
0xce: {  	v1 =	vld [tilespmem:s13+$0x80];
	v8 =	vmul.f32 v3, v0  }
0xcf: {  	v3 =	vld [tilespmem:s13+$0x100];
	v6 =	vmul.f32 v5, v0  }
0xd0: {  	s14 =	simm.s32 $0x0;
	s15 =	sadd.s32 $0x2000, s13;
	v5 =	vld [tilespmem:s13+$0xFFFFFE00];
	v7 =	vmul.f32 v7, v0;
	[tilespmem:s13+$0x180] =	vst v8  }
.LBB2_19:
0xd1: {  	v8 =	vld [tilespmem:s15+$0x180];
	s14 =	sadd.s32 $0x8, s14;
	[tilespmem:s13+$0xFFFFFE80] =	vst v6;
	v4 =	vmul.f32 v4, v0  }
0xd2: {  	v6 =	vld [tilespmem:s15+$0xFFFFFE80];
	p0 =	slt.u32 s14, $0x18;
	[tilespmem:s13+$0xFFFFFF00] =	vst v7;
	v2 =	vmul.f32 v2, v0  }
0xd3: {  	v7 =	vld [tilespmem:s15+$0xFFFFFF00];
	[tilespmem:s13+$0xFFFFFF80] =	vst v4;
	v1 =	vmul.f32 v1, v0  }
.Ltmp8:
0xd4: {  	v4 =	vld [tilespmem:s15+$0xFFFFFF80];
	[tilespmem:s13+$0x0] =	vst v2;
	v3 =	vmul.f32 v3, v0;
	(pc) =	sbr.rel @p0 .LBB2_19-.Ltmp8, $4  }
0xd5: {  	v2 =	vld [tilespmem:s15+$0x0];
	v5 =	vmul.f32 v5, v0;
	[tilespmem:s13+$0x80] =	vst v1  }
0xd6: {  	v1 =	vld [tilespmem:s15+$0x80];
	v8 =	vmul.f32 v8, v0;
	[tilespmem:s13+$0x100] =	vst v3  }
0xd7: {  	v6 =	vmul.f32 v6, v0;
	v3 =	vld [tilespmem:s15+$0x100];
	[tilespmem:s13+$0xFFFFFE00] =	vst v5;
	s13 =	smov.u32 s15  }
0xd8: {  	s15 =	sadd.s32 $0x2000, s15;
	v5 =	vld [tilespmem:s13+$0xFFFFFE00];
	v7 =	vmul.f32 v7, v0;
	[tilespmem:s13+$0x180] =	vst v8  }
0xd9: {  	[tilespmem:s13+$0xFFFFFE80] =	vst v6;
	v4 =	vmul.f32 v4, v0;
	s12 =	sadd.s32 $0x1, s12  }
0xda: {  	[tilespmem:s13+$0xFFFFFF00] =	vst v7;
	v2 =	vmul.f32 v2, v0;
	p0 =	sne.s32 s12, $0x40  }
.Ltmp9:
0xdb: {  	[tilespmem:s13+$0xFFFFFF80] =	vst v4;
	v1 =	vmul.f32 v1, v0;
	(pc) =	sbr.rel @p0 .LBB2_18-.Ltmp9, $4  }
0xdc: {  	[tilespmem:s13+$0x0] =	vst v2;
	v62 =	vmul.f32 v3, v0  }
0xdd: {  	v63 =	vmul.f32 v5, v0;
	[tilespmem:s13+$0x80] =	vst v1  }
0xde: {  	[tilespmem:s13+$0x100] =	vst v62  }
0xdf: {  	s11 =	sadd.s32 $0x80, s11;
	s10 =	sadd.s32 $0x1, s10;
	[tilespmem:s13+$0xFFFFFE00] =	vst v63  }
0xe0: {  	s10 =	simm.s32 $0x0;
	s11 =	rddreg [dreg:$0xe]  }
0xe1: {  	[hbm4b:s11+s10] =	stream.linear.scatter [tilespmem:s2], [sflag:$0x5], $0x8000, $0x38;
	[tilespmem:$0x1A000] =	vst v63  }
0xe2: {  	_ =	swait.ge [sflag:s5], $0x8000  }
0xe3: {  	[sflag:s5] =	ssyncset.done $0x0  }
0xe4: {  	s16 =	rddreg [dreg:$0xf];
	[sflag:s5] =	ssyncadd.s32 $0xFFFF8000  }
0xe5: {  	[tilespmem:s0], [sflag:$0x1] =	stream.linear.gather [hbm4b:s16+s10], $0x8000, $0x38;
	[tilespmem:$0x1A000] =	vst v63  }
0xe6: {  	_ =	swait.ge [sflag:s6], $0x8000  }
0xe7: {  	[sflag:s6] =	ssyncset.done $0x0  }
0xe8: {  	s12 =	simm.s32 $0x0;
	s11 =	simm.s32 $0x0;
	[sflag:s6] =	ssyncadd.s32 $0xFFFF8000  }
.LBB2_22:
0xe9: {  	s13 =	sshll.u32 s11, $0x2  }
0xea: {  	s14 =	sand.u32 $0x7, s10;
	s15 =	sshll.u32 s12, $0x7;
	s16 =	sshll.u32 s12, $0x4  }
0xeb: {  	s13 =	sand.u32 $0xFFFFF000, s13;
	s14 =	sshll.u32 s14, $0x6;
	s15 =	sand.u32 $0x1C00, s15  }
0xec: {  	s16 =	sand.u32 $0x70, s16;
	s13 =	sor.u32 s14, s13;
	s15 =	sadd.s32 s15, s29  }
0xed: {  	s13 =	sshrl.u32 s13, $0x2;
	s14 =	sadd.s32 s16, s15  }
0xee: {  	s13 =	sadd.s32 $0x12200, s13;
	v0 =	vld [tilespmem:s14+$0x80]  }
0xef: {  	v3 =	vld [tilespmem:s13+$0x180]  }
0xf0: {  	v5 =	vld [tilespmem:s13+$0xFFFFFE80]  }
0xf1: {  	v7 =	vld [tilespmem:s13+$0xFFFFFF00]  }
0xf2: {  	v4 =	vld [tilespmem:s13+$0xFFFFFF80]  }
0xf3: {  	v2 =	vld [tilespmem:s13+$0x0]  }
0xf4: {  	v1 =	vld [tilespmem:s13+$0x80];
	v8 =	vmul.f32 v3, v0  }
0xf5: {  	v3 =	vld [tilespmem:s13+$0x100];
	v6 =	vmul.f32 v5, v0  }
0xf6: {  	s14 =	simm.s32 $0x0;
	s15 =	sadd.s32 $0x2000, s13;
	v5 =	vld [tilespmem:s13+$0xFFFFFE00];
	v7 =	vmul.f32 v7, v0;
	[tilespmem:s13+$0x180] =	vst v8  }
.LBB2_23:
0xf7: {  	v8 =	vld [tilespmem:s15+$0x180];
	s14 =	sadd.s32 $0x8, s14;
	[tilespmem:s13+$0xFFFFFE80] =	vst v6;
	v4 =	vmul.f32 v4, v0  }
0xf8: {  	v6 =	vld [tilespmem:s15+$0xFFFFFE80];
	p0 =	slt.u32 s14, $0x18;
	[tilespmem:s13+$0xFFFFFF00] =	vst v7;
	v2 =	vmul.f32 v2, v0  }
0xf9: {  	v7 =	vld [tilespmem:s15+$0xFFFFFF00];
	[tilespmem:s13+$0xFFFFFF80] =	vst v4;
	v1 =	vmul.f32 v1, v0  }
.Ltmp10:
0xfa: {  	v4 =	vld [tilespmem:s15+$0xFFFFFF80];
	[tilespmem:s13+$0x0] =	vst v2;
	v3 =	vmul.f32 v3, v0;
	(pc) =	sbr.rel @p0 .LBB2_23-.Ltmp10, $4  }
0xfb: {  	v2 =	vld [tilespmem:s15+$0x0];
	v5 =	vmul.f32 v5, v0;
	[tilespmem:s13+$0x80] =	vst v1  }
0xfc: {  	v1 =	vld [tilespmem:s15+$0x80];
	v8 =	vmul.f32 v8, v0;
	[tilespmem:s13+$0x100] =	vst v3  }
0xfd: {  	v6 =	vmul.f32 v6, v0;
	v3 =	vld [tilespmem:s15+$0x100];
	[tilespmem:s13+$0xFFFFFE00] =	vst v5;
	s13 =	smov.u32 s15  }
0xfe: {  	s15 =	sadd.s32 $0x2000, s15;
	v5 =	vld [tilespmem:s13+$0xFFFFFE00];
	v7 =	vmul.f32 v7, v0;
	[tilespmem:s13+$0x180] =	vst v8  }
0xff: {  	[tilespmem:s13+$0xFFFFFE80] =	vst v6;
	v4 =	vmul.f32 v4, v0;
	s12 =	sadd.s32 $0x1, s12  }
0x100: {  	[tilespmem:s13+$0xFFFFFF00] =	vst v7;
	v2 =	vmul.f32 v2, v0;
	p0 =	sne.s32 s12, $0x40  }
.Ltmp11:
0x101: {  	[tilespmem:s13+$0xFFFFFF80] =	vst v4;
	v1 =	vmul.f32 v1, v0;
	(pc) =	sbr.rel @p0 .LBB2_22-.Ltmp11, $4  }
0x102: {  	[tilespmem:s13+$0x0] =	vst v2;
	v62 =	vmul.f32 v3, v0  }
0x103: {  	v63 =	vmul.f32 v5, v0;
	[tilespmem:s13+$0x80] =	vst v1  }
0x104: {  	[tilespmem:s13+$0x100] =	vst v62  }
0x105: {  	s11 =	sadd.s32 $0x80, s11;
	s10 =	sadd.s32 $0x1, s10;
	[tilespmem:s13+$0xFFFFFE00] =	vst v63  }
0x106: {  	s10 =	simm.s32 $0x0;
	s11 =	rddreg [dreg:$0x10]  }
0x107: {  	[hbm4b:s11+s10] =	stream.linear.scatter [tilespmem:s3], [sflag:$0x6], $0x8000, $0x38;
	[tilespmem:$0x1A000] =	vst v63  }
0x108: {  	_ =	swait.ge [sflag:s7], $0x8000  }
0x109: {  	[sflag:s7] =	ssyncset.done $0x0  }
0x10a: {  	s16 =	rddreg [dreg:$0x11];
	[sflag:s7] =	ssyncadd.s32 $0xFFFF8000  }
0x10b: {  	[tilespmem:s2], [sflag:$0x2] =	stream.linear.gather [hbm4b:s16+s10], $0x8000, $0x38;
	[tilespmem:$0x1A000] =	vst v63  }
0x10c: {  	_ =	swait.ge [sflag:s31], $0x8000  }
0x10d: {  	[sflag:s31] =	ssyncset.done $0x0  }
0x10e: {  	s12 =	simm.s32 $0x0;
	s11 =	simm.s32 $0x0;
	[sflag:s31] =	ssyncadd.s32 $0xFFFF8000  }
.LBB2_26:
0x10f: {  	s13 =	sshll.u32 s11, $0x2  }
0x110: {  	s14 =	sand.u32 $0x7, s10;
	s15 =	sshll.u32 s12, $0x7;
	s16 =	sshll.u32 s12, $0x4  }
0x111: {  	s13 =	sand.u32 $0xFFFFF000, s13;
	s14 =	sshll.u32 s14, $0x6;
	s15 =	sand.u32 $0x1C00, s15  }
0x112: {  	s16 =	sand.u32 $0x70, s16;
	s13 =	sor.u32 s14, s13;
	s15 =	sadd.s32 s15, s29  }
0x113: {  	s13 =	sshrl.u32 s13, $0x2;
	s14 =	sadd.s32 s16, s15  }
0x114: {  	s13 =	sadd.s32 $0x2200, s13;
	v0 =	vld [tilespmem:s14+$0x100]  }
0x115: {  	v3 =	vld [tilespmem:s13+$0x180]  }
0x116: {  	v5 =	vld [tilespmem:s13+$0xFFFFFE80]  }
0x117: {  	v7 =	vld [tilespmem:s13+$0xFFFFFF00]  }
0x118: {  	v4 =	vld [tilespmem:s13+$0xFFFFFF80]  }
0x119: {  	v2 =	vld [tilespmem:s13+$0x0]  }
0x11a: {  	v1 =	vld [tilespmem:s13+$0x80];
	v8 =	vmul.f32 v3, v0  }
0x11b: {  	v3 =	vld [tilespmem:s13+$0x100];
	v6 =	vmul.f32 v5, v0  }
0x11c: {  	s14 =	simm.s32 $0x0;
	s15 =	sadd.s32 $0x2000, s13;
	v5 =	vld [tilespmem:s13+$0xFFFFFE00];
	v7 =	vmul.f32 v7, v0;
	[tilespmem:s13+$0x180] =	vst v8  }
.LBB2_27:
0x11d: {  	v8 =	vld [tilespmem:s15+$0x180];
	s14 =	sadd.s32 $0x8, s14;
	[tilespmem:s13+$0xFFFFFE80] =	vst v6;
	v4 =	vmul.f32 v4, v0  }
0x11e: {  	v6 =	vld [tilespmem:s15+$0xFFFFFE80];
	p0 =	slt.u32 s14, $0x18;
	[tilespmem:s13+$0xFFFFFF00] =	vst v7;
	v2 =	vmul.f32 v2, v0  }
0x11f: {  	v7 =	vld [tilespmem:s15+$0xFFFFFF00];
	[tilespmem:s13+$0xFFFFFF80] =	vst v4;
	v1 =	vmul.f32 v1, v0  }
.Ltmp12:
0x120: {  	v4 =	vld [tilespmem:s15+$0xFFFFFF80];
	[tilespmem:s13+$0x0] =	vst v2;
	v3 =	vmul.f32 v3, v0;
	(pc) =	sbr.rel @p0 .LBB2_27-.Ltmp12, $4  }
0x121: {  	v2 =	vld [tilespmem:s15+$0x0];
	v5 =	vmul.f32 v5, v0;
	[tilespmem:s13+$0x80] =	vst v1  }
0x122: {  	v1 =	vld [tilespmem:s15+$0x80];
	v8 =	vmul.f32 v8, v0;
	[tilespmem:s13+$0x100] =	vst v3  }
0x123: {  	v6 =	vmul.f32 v6, v0;
	v3 =	vld [tilespmem:s15+$0x100];
	[tilespmem:s13+$0xFFFFFE00] =	vst v5;
	s13 =	smov.u32 s15  }
0x124: {  	s15 =	sadd.s32 $0x2000, s15;
	v5 =	vld [tilespmem:s13+$0xFFFFFE00];
	v7 =	vmul.f32 v7, v0;
	[tilespmem:s13+$0x180] =	vst v8  }
0x125: {  	[tilespmem:s13+$0xFFFFFE80] =	vst v6;
	v4 =	vmul.f32 v4, v0;
	s12 =	sadd.s32 $0x1, s12  }
0x126: {  	[tilespmem:s13+$0xFFFFFF00] =	vst v7;
	v2 =	vmul.f32 v2, v0;
	p0 =	sne.s32 s12, $0x40  }
.Ltmp13:
0x127: {  	[tilespmem:s13+$0xFFFFFF80] =	vst v4;
	v1 =	vmul.f32 v1, v0;
	(pc) =	sbr.rel @p0 .LBB2_26-.Ltmp13, $4  }
0x128: {  	[tilespmem:s13+$0x0] =	vst v2;
	v62 =	vmul.f32 v3, v0  }
0x129: {  	v63 =	vmul.f32 v5, v0;
	[tilespmem:s13+$0x80] =	vst v1  }
0x12a: {  	[tilespmem:s13+$0x100] =	vst v62  }
0x12b: {  	s11 =	sadd.s32 $0x80, s11;
	s10 =	sadd.s32 $0x1, s10;
	[tilespmem:s13+$0xFFFFFE00] =	vst v63  }
0x12c: {  	s10 =	simm.s32 $0x0  }
0x12d: {  	[hbm4b:s17+s10] =	stream.linear.scatter [tilespmem:s0], [sflag:$0x4], $0x8000, $0x38;
	[tilespmem:$0x1A000] =	vst v63  }
0x12e: {  	_ =	swait.ge [sflag:s8], $0x8000  }
0x12f: {  	[sflag:s8] =	ssyncset.done $0x0  }
0x130: {  	[sflag:s8] =	ssyncadd.s32 $0xFFFF8000  }
0x131: {  	[tilespmem:s3], [sflag:$0x3] =	stream.linear.gather [hbm4b:s19+s10], $0x8000, $0x38;
	[tilespmem:$0x1A000] =	vst v63  }
0x132: {  	_ =	swait.ge [sflag:s4], $0x8000  }
0x133: {  	[sflag:s4] =	ssyncset.done $0x0  }
0x134: {  	s11 =	simm.s32 $0x0;
	s12 =	simm.s32 $0x0;
	[sflag:s4] =	ssyncadd.s32 $0xFFFF8000  }
.LBB2_30:
0x135: {  	s13 =	sshll.u32 s11, $0x2  }
0x136: {  	s14 =	sand.u32 $0x7, s10;
	s15 =	sshll.u32 s12, $0x7;
	s16 =	sshll.u32 s12, $0x4  }
0x137: {  	s13 =	sand.u32 $0xFFFFF000, s13;
	s14 =	sshll.u32 s14, $0x6;
	s15 =	sand.u32 $0x1C00, s15  }
0x138: {  	s16 =	sand.u32 $0x70, s16;
	s13 =	sor.u32 s14, s13;
	s15 =	sadd.s32 s15, s29  }
0x139: {  	s13 =	sshrl.u32 s13, $0x2;
	s14 =	sadd.s32 s16, s15  }
0x13a: {  	s13 =	sadd.s32 $0xA200, s13;
	v0 =	vld [tilespmem:s14+$0x100]  }
0x13b: {  	v3 =	vld [tilespmem:s13+$0x180]  }
0x13c: {  	v5 =	vld [tilespmem:s13+$0xFFFFFE80]  }
0x13d: {  	v7 =	vld [tilespmem:s13+$0xFFFFFF00]  }
0x13e: {  	v4 =	vld [tilespmem:s13+$0xFFFFFF80]  }
0x13f: {  	v2 =	vld [tilespmem:s13+$0x0]  }
0x140: {  	v1 =	vld [tilespmem:s13+$0x80];
	v8 =	vmul.f32 v3, v0  }
0x141: {  	v3 =	vld [tilespmem:s13+$0x100];
	v6 =	vmul.f32 v5, v0  }
0x142: {  	s14 =	simm.s32 $0x0;
	s15 =	sadd.s32 $0x2000, s13;
	v5 =	vld [tilespmem:s13+$0xFFFFFE00];
	v7 =	vmul.f32 v7, v0;
	[tilespmem:s13+$0x180] =	vst v8  }
.LBB2_31:
0x143: {  	v8 =	vld [tilespmem:s15+$0x180];
	s14 =	sadd.s32 $0x8, s14;
	[tilespmem:s13+$0xFFFFFE80] =	vst v6;
	v4 =	vmul.f32 v4, v0  }
0x144: {  	v6 =	vld [tilespmem:s15+$0xFFFFFE80];
	p0 =	slt.u32 s14, $0x18;
	[tilespmem:s13+$0xFFFFFF00] =	vst v7;
	v2 =	vmul.f32 v2, v0  }
0x145: {  	v7 =	vld [tilespmem:s15+$0xFFFFFF00];
	[tilespmem:s13+$0xFFFFFF80] =	vst v4;
	v1 =	vmul.f32 v1, v0  }
.Ltmp14:
0x146: {  	v4 =	vld [tilespmem:s15+$0xFFFFFF80];
	[tilespmem:s13+$0x0] =	vst v2;
	v3 =	vmul.f32 v3, v0;
	(pc) =	sbr.rel @p0 .LBB2_31-.Ltmp14, $4  }
0x147: {  	v2 =	vld [tilespmem:s15+$0x0];
	v5 =	vmul.f32 v5, v0;
	[tilespmem:s13+$0x80] =	vst v1  }
0x148: {  	v1 =	vld [tilespmem:s15+$0x80];
	v8 =	vmul.f32 v8, v0;
	[tilespmem:s13+$0x100] =	vst v3  }
0x149: {  	v6 =	vmul.f32 v6, v0;
	v3 =	vld [tilespmem:s15+$0x100];
	[tilespmem:s13+$0xFFFFFE00] =	vst v5;
	s13 =	smov.u32 s15  }
0x14a: {  	s15 =	sadd.s32 $0x2000, s15;
	v5 =	vld [tilespmem:s13+$0xFFFFFE00];
	v7 =	vmul.f32 v7, v0;
	[tilespmem:s13+$0x180] =	vst v8  }
0x14b: {  	[tilespmem:s13+$0xFFFFFE80] =	vst v6;
	v4 =	vmul.f32 v4, v0;
	s12 =	sadd.s32 $0x1, s12  }
0x14c: {  	[tilespmem:s13+$0xFFFFFF00] =	vst v7;
	v2 =	vmul.f32 v2, v0;
	p0 =	sne.s32 s12, $0x40  }
.Ltmp15:
0x14d: {  	[tilespmem:s13+$0xFFFFFF80] =	vst v4;
	v1 =	vmul.f32 v1, v0;
	(pc) =	sbr.rel @p0 .LBB2_30-.Ltmp15, $4  }
0x14e: {  	[tilespmem:s13+$0x0] =	vst v2;
	v62 =	vmul.f32 v3, v0  }
0x14f: {  	v63 =	vmul.f32 v5, v0;
	[tilespmem:s13+$0x80] =	vst v1  }
0x150: {  	[tilespmem:s13+$0x100] =	vst v62  }
0x151: {  	s11 =	sadd.s32 $0x80, s11;
	s10 =	sadd.s32 $0x1, s10;
	[tilespmem:s13+$0xFFFFFE00] =	vst v63  }
0x152: {  	s10 =	simm.s32 $0x0  }
0x153: {  	[hbm4b:s18+s10] =	stream.linear.scatter [tilespmem:s2], [sflag:$0x5], $0x8000, $0x38;
	[tilespmem:$0x1A000] =	vst v63  }
0x154: {  	_ =	swait.ge [sflag:s5], $0x8000  }
0x155: {  	[sflag:s5] =	ssyncset.done $0x0  }
0x156: {  	[sflag:s5] =	ssyncadd.s32 $0xFFFF8000  }
0x157: {  	[tilespmem:s0], [sflag:$0x1] =	stream.linear.gather [hbm4b:s21+s10], $0x8000, $0x38;
	[tilespmem:$0x1A000] =	vst v63  }
0x158: {  	_ =	swait.ge [sflag:s6], $0x8000  }
0x159: {  	[sflag:s6] =	ssyncset.done $0x0  }
0x15a: {  	s11 =	simm.s32 $0x0;
	s12 =	simm.s32 $0x0;
	[sflag:s6] =	ssyncadd.s32 $0xFFFF8000  }
.LBB2_34:
0x15b: {  	s13 =	sshll.u32 s11, $0x2  }
0x15c: {  	s14 =	sand.u32 $0x7, s10;
	s15 =	sshll.u32 s12, $0x7;
	s16 =	sshll.u32 s12, $0x4  }
0x15d: {  	s13 =	sand.u32 $0xFFFFF000, s13;
	s14 =	sshll.u32 s14, $0x6;
	s15 =	sand.u32 $0x1C00, s15  }
0x15e: {  	s16 =	sand.u32 $0x70, s16;
	s13 =	sor.u32 s14, s13;
	s15 =	sadd.s32 s15, s29  }
0x15f: {  	s13 =	sshrl.u32 s13, $0x2;
	s14 =	sadd.s32 s16, s15  }
0x160: {  	s13 =	sadd.s32 $0x12200, s13;
	v0 =	vld [tilespmem:s14+$0x100]  }
0x161: {  	v3 =	vld [tilespmem:s13+$0x180]  }
0x162: {  	v5 =	vld [tilespmem:s13+$0xFFFFFE80]  }
0x163: {  	v7 =	vld [tilespmem:s13+$0xFFFFFF00]  }
0x164: {  	v4 =	vld [tilespmem:s13+$0xFFFFFF80]  }
0x165: {  	v2 =	vld [tilespmem:s13+$0x0]  }
0x166: {  	v1 =	vld [tilespmem:s13+$0x80];
	v8 =	vmul.f32 v3, v0  }
0x167: {  	v3 =	vld [tilespmem:s13+$0x100];
	v6 =	vmul.f32 v5, v0  }
0x168: {  	s14 =	simm.s32 $0x0;
	s15 =	sadd.s32 $0x2000, s13;
	v5 =	vld [tilespmem:s13+$0xFFFFFE00];
	v7 =	vmul.f32 v7, v0;
	[tilespmem:s13+$0x180] =	vst v8  }
.LBB2_35:
0x169: {  	v8 =	vld [tilespmem:s15+$0x180];
	s14 =	sadd.s32 $0x8, s14;
	[tilespmem:s13+$0xFFFFFE80] =	vst v6;
	v4 =	vmul.f32 v4, v0  }
0x16a: {  	v6 =	vld [tilespmem:s15+$0xFFFFFE80];
	p0 =	slt.u32 s14, $0x18;
	[tilespmem:s13+$0xFFFFFF00] =	vst v7;
	v2 =	vmul.f32 v2, v0  }
0x16b: {  	v7 =	vld [tilespmem:s15+$0xFFFFFF00];
	[tilespmem:s13+$0xFFFFFF80] =	vst v4;
	v1 =	vmul.f32 v1, v0  }
.Ltmp16:
0x16c: {  	v4 =	vld [tilespmem:s15+$0xFFFFFF80];
	[tilespmem:s13+$0x0] =	vst v2;
	v3 =	vmul.f32 v3, v0;
	(pc) =	sbr.rel @p0 .LBB2_35-.Ltmp16, $4  }
0x16d: {  	v2 =	vld [tilespmem:s15+$0x0];
	v5 =	vmul.f32 v5, v0;
	[tilespmem:s13+$0x80] =	vst v1  }
0x16e: {  	v1 =	vld [tilespmem:s15+$0x80];
	v8 =	vmul.f32 v8, v0;
	[tilespmem:s13+$0x100] =	vst v3  }
0x16f: {  	v6 =	vmul.f32 v6, v0;
	v3 =	vld [tilespmem:s15+$0x100];
	[tilespmem:s13+$0xFFFFFE00] =	vst v5;
	s13 =	smov.u32 s15  }
0x170: {  	s15 =	sadd.s32 $0x2000, s15;
	v5 =	vld [tilespmem:s13+$0xFFFFFE00];
	v7 =	vmul.f32 v7, v0;
	[tilespmem:s13+$0x180] =	vst v8  }
0x171: {  	[tilespmem:s13+$0xFFFFFE80] =	vst v6;
	v4 =	vmul.f32 v4, v0;
	s12 =	sadd.s32 $0x1, s12  }
0x172: {  	[tilespmem:s13+$0xFFFFFF00] =	vst v7;
	v2 =	vmul.f32 v2, v0;
	p0 =	sne.s32 s12, $0x40  }
.Ltmp17:
0x173: {  	[tilespmem:s13+$0xFFFFFF80] =	vst v4;
	v1 =	vmul.f32 v1, v0;
	(pc) =	sbr.rel @p0 .LBB2_34-.Ltmp17, $4  }
0x174: {  	[tilespmem:s13+$0x0] =	vst v2;
	v62 =	vmul.f32 v3, v0  }
0x175: {  	v63 =	vmul.f32 v5, v0;
	[tilespmem:s13+$0x80] =	vst v1  }
0x176: {  	[tilespmem:s13+$0x100] =	vst v62  }
0x177: {  	s11 =	sadd.s32 $0x80, s11;
	s10 =	sadd.s32 $0x1, s10;
	[tilespmem:s13+$0xFFFFFE00] =	vst v63  }
0x178: {  	s10 =	simm.s32 $0x0  }
0x179: {  	[hbm4b:s20+s10] =	stream.linear.scatter [tilespmem:s3], [sflag:$0x6], $0x8000, $0x38;
	[tilespmem:$0x1A000] =	vst v63  }
0x17a: {  	_ =	swait.ge [sflag:s7], $0x8000  }
0x17b: {  	[sflag:s7] =	ssyncset.done $0x0  }
0x17c: {  	[sflag:s7] =	ssyncadd.s32 $0xFFFF8000  }
0x17d: {  	[tilespmem:s2], [sflag:$0x2] =	stream.linear.gather [hbm4b:s24+s10], $0x8000, $0x38;
	[tilespmem:$0x1A000] =	vst v63  }
0x17e: {  	_ =	swait.ge [sflag:s31], $0x8000  }
0x17f: {  	[sflag:s31] =	ssyncset.done $0x0  }
0x180: {  	s11 =	simm.s32 $0x0;
	s12 =	simm.s32 $0x0;
	[sflag:s31] =	ssyncadd.s32 $0xFFFF8000  }
.LBB2_38:
0x181: {  	s13 =	sshll.u32 s11, $0x2  }
0x182: {  	s14 =	sand.u32 $0x7, s10;
	s15 =	sshll.u32 s12, $0x7;
	s16 =	sshll.u32 s12, $0x4  }
0x183: {  	s13 =	sand.u32 $0xFFFFF000, s13;
	s14 =	sshll.u32 s14, $0x6;
	s15 =	sand.u32 $0x1C00, s15  }
0x184: {  	s16 =	sand.u32 $0x70, s16;
	s13 =	sor.u32 s14, s13;
	s15 =	sadd.s32 s15, s29  }
0x185: {  	s13 =	sshrl.u32 s13, $0x2;
	s14 =	sadd.s32 s16, s15  }
0x186: {  	s13 =	sadd.s32 $0x2200, s13;
	v0 =	vld [tilespmem:s14+$0x180]  }
0x187: {  	v3 =	vld [tilespmem:s13+$0x180]  }
0x188: {  	v5 =	vld [tilespmem:s13+$0xFFFFFE80]  }
0x189: {  	v7 =	vld [tilespmem:s13+$0xFFFFFF00]  }
0x18a: {  	v4 =	vld [tilespmem:s13+$0xFFFFFF80]  }
0x18b: {  	v2 =	vld [tilespmem:s13+$0x0]  }
0x18c: {  	v1 =	vld [tilespmem:s13+$0x80];
	v8 =	vmul.f32 v3, v0  }
0x18d: {  	v3 =	vld [tilespmem:s13+$0x100];
	v6 =	vmul.f32 v5, v0  }
0x18e: {  	s14 =	simm.s32 $0x0;
	s15 =	sadd.s32 $0x2000, s13;
	v5 =	vld [tilespmem:s13+$0xFFFFFE00];
	v7 =	vmul.f32 v7, v0;
	[tilespmem:s13+$0x180] =	vst v8  }
.LBB2_39:
0x18f: {  	v8 =	vld [tilespmem:s15+$0x180];
	s14 =	sadd.s32 $0x8, s14;
	[tilespmem:s13+$0xFFFFFE80] =	vst v6;
	v4 =	vmul.f32 v4, v0  }
0x190: {  	v6 =	vld [tilespmem:s15+$0xFFFFFE80];
	p0 =	slt.u32 s14, $0x18;
	[tilespmem:s13+$0xFFFFFF00] =	vst v7;
	v2 =	vmul.f32 v2, v0  }
0x191: {  	v7 =	vld [tilespmem:s15+$0xFFFFFF00];
	[tilespmem:s13+$0xFFFFFF80] =	vst v4;
	v1 =	vmul.f32 v1, v0  }
.Ltmp18:
0x192: {  	v4 =	vld [tilespmem:s15+$0xFFFFFF80];
	[tilespmem:s13+$0x0] =	vst v2;
	v3 =	vmul.f32 v3, v0;
	(pc) =	sbr.rel @p0 .LBB2_39-.Ltmp18, $4  }
0x193: {  	v2 =	vld [tilespmem:s15+$0x0];
	v5 =	vmul.f32 v5, v0;
	[tilespmem:s13+$0x80] =	vst v1  }
0x194: {  	v1 =	vld [tilespmem:s15+$0x80];
	v8 =	vmul.f32 v8, v0;
	[tilespmem:s13+$0x100] =	vst v3  }
0x195: {  	v6 =	vmul.f32 v6, v0;
	v3 =	vld [tilespmem:s15+$0x100];
	[tilespmem:s13+$0xFFFFFE00] =	vst v5;
	s13 =	smov.u32 s15  }
0x196: {  	s15 =	sadd.s32 $0x2000, s15;
	v5 =	vld [tilespmem:s13+$0xFFFFFE00];
	v7 =	vmul.f32 v7, v0;
	[tilespmem:s13+$0x180] =	vst v8  }
0x197: {  	[tilespmem:s13+$0xFFFFFE80] =	vst v6;
	v4 =	vmul.f32 v4, v0;
	s12 =	sadd.s32 $0x1, s12  }
0x198: {  	[tilespmem:s13+$0xFFFFFF00] =	vst v7;
	v2 =	vmul.f32 v2, v0;
	p0 =	sne.s32 s12, $0x40  }
.Ltmp19:
0x199: {  	[tilespmem:s13+$0xFFFFFF80] =	vst v4;
	v1 =	vmul.f32 v1, v0;
	(pc) =	sbr.rel @p0 .LBB2_38-.Ltmp19, $4  }
0x19a: {  	[tilespmem:s13+$0x0] =	vst v2;
	v62 =	vmul.f32 v3, v0  }
0x19b: {  	v63 =	vmul.f32 v5, v0;
	[tilespmem:s13+$0x80] =	vst v1  }
0x19c: {  	[tilespmem:s13+$0x100] =	vst v62  }
0x19d: {  	s11 =	sadd.s32 $0x80, s11;
	s10 =	sadd.s32 $0x1, s10;
	[tilespmem:s13+$0xFFFFFE00] =	vst v63  }
0x19e: {  	s10 =	simm.s32 $0x0  }
0x19f: {  	[hbm4b:s23+s10] =	stream.linear.scatter [tilespmem:s0], [sflag:$0x4], $0x8000, $0x38;
	[tilespmem:$0x1A000] =	vst v63  }
0x1a0: {  	_ =	swait.ge [sflag:s8], $0x8000  }
0x1a1: {  	[sflag:s8] =	ssyncset.done $0x0  }
0x1a2: {  	[sflag:s8] =	ssyncadd.s32 $0xFFFF8000  }
0x1a3: {  	[tilespmem:s3], [sflag:$0x3] =	stream.linear.gather [hbm4b:s25+s10], $0x8000, $0x38;
	[tilespmem:$0x1A000] =	vst v63  }
0x1a4: {  	_ =	swait.ge [sflag:s4], $0x8000  }
0x1a5: {  	[sflag:s4] =	ssyncset.done $0x0  }
0x1a6: {  	s11 =	simm.s32 $0x0;
	s12 =	simm.s32 $0x0;
	[sflag:s4] =	ssyncadd.s32 $0xFFFF8000  }
.LBB2_42:
0x1a7: {  	s13 =	sshll.u32 s11, $0x2  }
0x1a8: {  	s14 =	sand.u32 $0x7, s10;
	s15 =	sshll.u32 s12, $0x7;
	s16 =	sshll.u32 s12, $0x4  }
0x1a9: {  	s13 =	sand.u32 $0xFFFFF000, s13;
	s14 =	sshll.u32 s14, $0x6;
	s15 =	sand.u32 $0x1C00, s15  }
0x1aa: {  	s16 =	sand.u32 $0x70, s16;
	s13 =	sor.u32 s14, s13;
	s15 =	sadd.s32 s15, s29  }
0x1ab: {  	s13 =	sshrl.u32 s13, $0x2;
	s14 =	sadd.s32 s16, s15  }
0x1ac: {  	s13 =	sadd.s32 $0xA200, s13;
	v0 =	vld [tilespmem:s14+$0x180]  }
0x1ad: {  	v3 =	vld [tilespmem:s13+$0x180]  }
0x1ae: {  	v5 =	vld [tilespmem:s13+$0xFFFFFE80]  }
0x1af: {  	v7 =	vld [tilespmem:s13+$0xFFFFFF00]  }
0x1b0: {  	v4 =	vld [tilespmem:s13+$0xFFFFFF80]  }
0x1b1: {  	v2 =	vld [tilespmem:s13+$0x0]  }
0x1b2: {  	v1 =	vld [tilespmem:s13+$0x80];
	v8 =	vmul.f32 v3, v0  }
0x1b3: {  	v3 =	vld [tilespmem:s13+$0x100];
	v6 =	vmul.f32 v5, v0  }
0x1b4: {  	s14 =	simm.s32 $0x0;
	s15 =	sadd.s32 $0x2000, s13;
	v5 =	vld [tilespmem:s13+$0xFFFFFE00];
	v7 =	vmul.f32 v7, v0;
	[tilespmem:s13+$0x180] =	vst v8  }
.LBB2_43:
0x1b5: {  	v8 =	vld [tilespmem:s15+$0x180];
	s14 =	sadd.s32 $0x8, s14;
	[tilespmem:s13+$0xFFFFFE80] =	vst v6;
	v4 =	vmul.f32 v4, v0  }
0x1b6: {  	v6 =	vld [tilespmem:s15+$0xFFFFFE80];
	p0 =	slt.u32 s14, $0x18;
	[tilespmem:s13+$0xFFFFFF00] =	vst v7;
	v2 =	vmul.f32 v2, v0  }
0x1b7: {  	v7 =	vld [tilespmem:s15+$0xFFFFFF00];
	[tilespmem:s13+$0xFFFFFF80] =	vst v4;
	v1 =	vmul.f32 v1, v0  }
.Ltmp20:
0x1b8: {  	v4 =	vld [tilespmem:s15+$0xFFFFFF80];
	[tilespmem:s13+$0x0] =	vst v2;
	v3 =	vmul.f32 v3, v0;
	(pc) =	sbr.rel @p0 .LBB2_43-.Ltmp20, $4  }
0x1b9: {  	v2 =	vld [tilespmem:s15+$0x0];
	v5 =	vmul.f32 v5, v0;
	[tilespmem:s13+$0x80] =	vst v1  }
0x1ba: {  	v1 =	vld [tilespmem:s15+$0x80];
	v8 =	vmul.f32 v8, v0;
	[tilespmem:s13+$0x100] =	vst v3  }
0x1bb: {  	v6 =	vmul.f32 v6, v0;
	v3 =	vld [tilespmem:s15+$0x100];
	[tilespmem:s13+$0xFFFFFE00] =	vst v5;
	s13 =	smov.u32 s15  }
0x1bc: {  	s15 =	sadd.s32 $0x2000, s15;
	v5 =	vld [tilespmem:s13+$0xFFFFFE00];
	v7 =	vmul.f32 v7, v0;
	[tilespmem:s13+$0x180] =	vst v8  }
0x1bd: {  	[tilespmem:s13+$0xFFFFFE80] =	vst v6;
	v4 =	vmul.f32 v4, v0;
	s12 =	sadd.s32 $0x1, s12  }
0x1be: {  	[tilespmem:s13+$0xFFFFFF00] =	vst v7;
	v2 =	vmul.f32 v2, v0;
	p0 =	sne.s32 s12, $0x40  }
.Ltmp21:
0x1bf: {  	[tilespmem:s13+$0xFFFFFF80] =	vst v4;
	v1 =	vmul.f32 v1, v0;
	(pc) =	sbr.rel @p0 .LBB2_42-.Ltmp21, $4  }
0x1c0: {  	[tilespmem:s13+$0x0] =	vst v2;
	v62 =	vmul.f32 v3, v0  }
0x1c1: {  	v63 =	vmul.f32 v5, v0;
	[tilespmem:s13+$0x80] =	vst v1  }
0x1c2: {  	[tilespmem:s13+$0x100] =	vst v62  }
0x1c3: {  	s11 =	sadd.s32 $0x80, s11;
	s10 =	sadd.s32 $0x1, s10;
	[tilespmem:s13+$0xFFFFFE00] =	vst v63  }
0x1c4: {  	s10 =	simm.s32 $0x0  }
0x1c5: {  	[hbm4b:s26+s10] =	stream.linear.scatter [tilespmem:s2], [sflag:$0x5], $0x8000, $0x38;
	[tilespmem:$0x1A000] =	vst v63  }
0x1c6: {  	_ =	swait.ge [sflag:s6], $0x8000  }
0x1c7: {  	[sflag:s6] =	ssyncset.done $0x0  }
0x1c8: {  	s11 =	simm.s32 $0x0;
	s12 =	simm.s32 $0x0;
	[sflag:s6] =	ssyncadd.s32 $0xFFFF8000  }
.LBB2_46:
0x1c9: {  	s13 =	sshll.u32 s11, $0x2  }
0x1ca: {  	s14 =	sand.u32 $0x7, s10;
	s15 =	sshll.u32 s12, $0x7;
	s16 =	sshll.u32 s12, $0x4  }
0x1cb: {  	s13 =	sand.u32 $0xFFFFF000, s13;
	s14 =	sshll.u32 s14, $0x6;
	s15 =	sand.u32 $0x1C00, s15  }
0x1cc: {  	s16 =	sand.u32 $0x70, s16;
	s13 =	sor.u32 s14, s13;
	s15 =	sadd.s32 s15, s29  }
0x1cd: {  	s13 =	sshrl.u32 s13, $0x2;
	s14 =	sadd.s32 s16, s15  }
0x1ce: {  	s13 =	sadd.s32 $0x12200, s13;
	v0 =	vld [tilespmem:s14+$0x180]  }
0x1cf: {  	v3 =	vld [tilespmem:s13+$0x180]  }
0x1d0: {  	v5 =	vld [tilespmem:s13+$0xFFFFFE80]  }
0x1d1: {  	v7 =	vld [tilespmem:s13+$0xFFFFFF00]  }
0x1d2: {  	v4 =	vld [tilespmem:s13+$0xFFFFFF80]  }
0x1d3: {  	v2 =	vld [tilespmem:s13+$0x0]  }
0x1d4: {  	v1 =	vld [tilespmem:s13+$0x80];
	v8 =	vmul.f32 v3, v0  }
0x1d5: {  	v3 =	vld [tilespmem:s13+$0x100];
	v6 =	vmul.f32 v5, v0  }
0x1d6: {  	s14 =	simm.s32 $0x0;
	s15 =	sadd.s32 $0x2000, s13;
	v5 =	vld [tilespmem:s13+$0xFFFFFE00];
	v7 =	vmul.f32 v7, v0;
	[tilespmem:s13+$0x180] =	vst v8  }
.LBB2_47:
0x1d7: {  	v8 =	vld [tilespmem:s15+$0x180];
	s14 =	sadd.s32 $0x8, s14;
	[tilespmem:s13+$0xFFFFFE80] =	vst v6;
	v4 =	vmul.f32 v4, v0  }
0x1d8: {  	v6 =	vld [tilespmem:s15+$0xFFFFFE80];
	p0 =	slt.u32 s14, $0x18;
	[tilespmem:s13+$0xFFFFFF00] =	vst v7;
	v2 =	vmul.f32 v2, v0  }
0x1d9: {  	v7 =	vld [tilespmem:s15+$0xFFFFFF00];
	[tilespmem:s13+$0xFFFFFF80] =	vst v4;
	v1 =	vmul.f32 v1, v0  }
.Ltmp22:
0x1da: {  	v4 =	vld [tilespmem:s15+$0xFFFFFF80];
	[tilespmem:s13+$0x0] =	vst v2;
	v3 =	vmul.f32 v3, v0;
	(pc) =	sbr.rel @p0 .LBB2_47-.Ltmp22, $4  }
0x1db: {  	v2 =	vld [tilespmem:s15+$0x0];
	v5 =	vmul.f32 v5, v0;
	[tilespmem:s13+$0x80] =	vst v1  }
0x1dc: {  	v1 =	vld [tilespmem:s15+$0x80];
	v8 =	vmul.f32 v8, v0;
	[tilespmem:s13+$0x100] =	vst v3  }
0x1dd: {  	v6 =	vmul.f32 v6, v0;
	v3 =	vld [tilespmem:s15+$0x100];
	[tilespmem:s13+$0xFFFFFE00] =	vst v5;
	s13 =	smov.u32 s15  }
0x1de: {  	s15 =	sadd.s32 $0x2000, s15;
	v5 =	vld [tilespmem:s13+$0xFFFFFE00];
	v7 =	vmul.f32 v7, v0;
	[tilespmem:s13+$0x180] =	vst v8  }
0x1df: {  	[tilespmem:s13+$0xFFFFFE80] =	vst v6;
	v4 =	vmul.f32 v4, v0;
	s12 =	sadd.s32 $0x1, s12  }
0x1e0: {  	[tilespmem:s13+$0xFFFFFF00] =	vst v7;
	v2 =	vmul.f32 v2, v0;
	p0 =	sne.s32 s12, $0x40  }
.Ltmp23:
0x1e1: {  	[tilespmem:s13+$0xFFFFFF80] =	vst v4;
	v1 =	vmul.f32 v1, v0;
	(pc) =	sbr.rel @p0 .LBB2_46-.Ltmp23, $4  }
0x1e2: {  	[tilespmem:s13+$0x0] =	vst v2;
	v62 =	vmul.f32 v3, v0  }
0x1e3: {  	v63 =	vmul.f32 v5, v0;
	[tilespmem:s13+$0x80] =	vst v1  }
0x1e4: {  	[tilespmem:s13+$0x100] =	vst v62  }
0x1e5: {  	s11 =	sadd.s32 $0x80, s11;
	s10 =	sadd.s32 $0x1, s10;
	[tilespmem:s13+$0xFFFFFE00] =	vst v63  }
0x1e6: {  	[hbm4b:s28+s1] =	stream.linear.scatter [tilespmem:s3], [sflag:$0x6], $0x8000, $0x38;
	[tilespmem:$0x1A000] =	vst v63  }
0x1e7: {  	_ =	swait.ge [sflag:s5], $0x8000  }
0x1e8: {  	[sflag:s5] =	ssyncset.done $0x0  }
0x1e9: {  	s9 =	sadd.s32 $0x1, s9;
	[sflag:s5] =	ssyncadd.s32 $0xFFFF8000  }
0x1ea: {  	p0 =	sne.s32 s9, s30;
	_ =	swait.ge [sflag:s7], $0x8000  }
.Ltmp24:
0x1eb: {  	[sflag:s7] =	ssyncset.done $0x0;
	(pc) =	sbr.rel @p0 .LBB2_1-.Ltmp24, $4  }
0x1ec: {  	[sflag:s7] =	ssyncadd.s32 $0xFFFF8000  }
0x1ed: {  	_ =	swait.ge [sflag:s8], $0x8000  }
0x1ee: {  	[sflag:s8] =	ssyncset.done $0x0  }
0x1ef: {  	[sflag:s8] =	ssyncadd.s32 $0xFFFF8000  }
0x1f0: {  	_ =	sfence.sel $0x180000  }
0x1f1: {  	[bflag:$0x0] =	sbarrier.arrive $0xFFFF  }
0x1f2: {  	_ =	strace $0x90000047  }
0x1f3: {  	s0 =	stileid.u32;
	[bflag:$0x2] =	sbarrier.arrive $0xFFFF  }
0x1f4: {  	p0 =	sne.s32 s0, $0x0;
	s0 =	rddreg [dreg:$0x2]  }
0x1f5: {  	s0 =	sadd.s32 @!p0 $0x100000, s0  }
0x1f6: {  	[sflag:s0] =	ssyncadd.tile.s32 @!p0 $0x1;
	_ =	shalt  }
.Lfunc_end2:
_tile_overlayer_lowered:
.L_overlay_start_2:
0x1f7: {  	(tag) =	ssettag $0x2  }
0x1f8: {  	s0 =	rddreg [dreg:$0x0];
	s2 =	stileid.u32  }
0x1f9: {  	s1 =	rddreg [dreg:$0x1];
	p0 =	sne.s32 s2, $0x0  }
0x1fa: {  	s3 =	rddreg [dreg:$0x2];
	[bflag:$0x3] =	sbarrier.arrive $0xFFFF;
	s2 =	simm.s32 @!p0 $0x1C07  }
0x1fb: {  	[timem:s3], [sflag:s2] =	dma.local @!p0 [hbm:s0], s1  }
0x1fc: {  	s0 =	simm.s32 @!p0 $0x7  }
0x1fd: {  	_ =	swait.ge @!p0 [sflag:s0], s1  }
0x1fe: {  	s1 =	ssub.s32 @!p0 $0x0, s1;
	[sflag:s0] =	ssyncset.done @!p0 $0x0  }
0x1ff: {  	[sflag:s0] =	ssyncadd.s32 @!p0 s1  }
0x200: {  	[bflag:$0x3] =	sbarrier.arrive $0xFFFF  }
0x201: {  	_ =	shalt  }

// kernel: sparse-core-data-format-call.cloned.1.call-start
scs
called_computation_lowered:
.L_overlay_start_0:
0x0: {  	s2 =	sld [smem:$0x3FD9]  }
0x1: {  	s3 =	sld [smem:$0x3FFE];
	_ =	sdelay $0x1  }
0x2: {  	s1 =	srdreg.scid  }
0x3: {  	s0 =	sand.u32 $0x1, s1  }
0x4: {  	s18 =	sshll.u32 s0, $0xA;
	s2 =	sadd.s32 s3, s2  }
0x5: {  	s2 =	sadd.s32 s2, s18  }
0x6: {  	[smem:$0x3FC6] =	sst s2  }
0x7: {  	_ = 	snop  }
0x8: {  	s2 =	sld [smem:$0x3FD0];
	(tm) =	ssettm $0x1  }
0x9: {  	s19 =	sld [smem:$0x3FFB];
	_ =	sdelay $0x3  }
0xa: {  	_ =	strace s19  }
0xb: {  	s3 =	sld [smem:$0x3FFC];
	_ =	sdelay $0x3  }
0xc: {  	_ =	strace s3  }
0xd: {  	s3 =	sld [smem:$0x3FFD];
	_ =	sdelay $0x3  }
0xe: {  	_ =	strace s3  }
0xf: {  	_ =	strace $0x8FFFFFFF  }
0x10: {  	s20 =	sld [smem:$0x3FDB];
	_ =	sdelay $0x1  }
0x11: {  	s4 =	simm.s32 $_scs_section_size  }
0x12: {  	s5 =	simm.s32 $_size__tile_overlayer_lowered;
	s6 =	simm.s32 $_tile_overlayer_lowered  }
0x13: {  	s23 =	simm.s32 $0x1BFF;
	s22 =	sshll.u32 s6, $0x1;
	s3 =	sadd.s32 s4, s20  }
0x14: {  	s7 =	simm.s32 $0x0;
	s21 =	sshll.u32 s5, $0x1;
	s5 =	sadd.s32 s22, s3  }
0x15: {  	[timem:s7], [sflag:s23] =	dma.local [hbm:s5], s21  }
0x16: {  	_ =	swait.ge [sflag:s23], s21  }
0x17: {  	s4 =	ssub.s32 $0x0, s21;
	[sflag:s23] =	ssyncset.done $0x0  }
0x18: {  	[sflag:s23] =	ssyncadd.s32 s4;
	_ =	sdelay $0x1  }
0x19: {  	s24 =	simm.s32 $0x1B8B  }
0x1a: {  	_ =	swait.ge [sflag:s24], $0x1  }
0x1b: {  	[sflag:s24] =	ssyncset.done $0x0  }
0x1c: {  	s26 =	simm.s32 $0x1B8E;
	s25 =	sld [smem:$0x3FFE];
	[sflag:s24] =	ssyncadd.s32 $0xFFFFFFFF  }
0x1d: {  	s27 =	simm.s32 $execute0_lowered;
	[smem:$0x3FD2] =	sst s26  }
0x1e: {  	s5 =	sshll.u32 s27, $0x1;
	_ =	strace $0x80000049;
	[dreg:$0x1] =	wrdreg $0xFFFFFFFF  }
0x1f: {  	s28 =	simm.s32 $_size_execute0_lowered;
	s3 =	sadd.s32 s3, s5;
	[dreg:$0x0] =	wrdreg $0x0  }
0x20: {  	s5 =	sshll.u32 s28, $0x1;
	[dreg:$0x2] =	wrdreg s3  }
0x21: {  	[dreg:$0x3] =	wrdreg s5  }
0x22: {  	[dreg:$0x4] =	wrdreg $0xC0  }
0x23: {  	_ =	task [dreg:s7], $0x5FFFF  }
0x24: {  	[dreg:$0x1] =	wrdreg $0xFFFFFFFF  }
0x25: {  	[dreg:$0x0] =	wrdreg $0x60  }
0x26: {  	[dreg:$0x2] =	wrdreg s25  }
0x27: {  	[dreg:$0x3] =	wrdreg s2  }
0x28: {  	[dreg:$0x4] =	wrdreg $0x9  }
0x29: {  	_ =	task.clear_ibuf [dreg:s7], $0x5FFFF;
	_ =	strace $0x90000049  }
0x2a: {  	s29 =	simm.s32 $0x9;
	_ =	strace $0x8000004B  }
0x2b: {  	_ =	swait.ge [sflag:s29], $0x1  }
0x2c: {  	[sflag:s29] =	ssyncadd.s32 $0xFFFFFFFF  }
0x2d: {  	_ =	strace $0x9000004B  }
0x2e: {  	_ =	sfence  }
0x2f: {  	s30 =	sld [smem:$0x0];
	_ =	sdelay $0x2  }
0x30: {  	s31 =	sshll.u32 s1, $0xD;
	s1 =	sshrl.u32 s1, $0x2  }
0x31: {  	s3 =	sand.u32 $0x4000, s31;
	s1 =	sadd.s32 s1, s30  }
0x32: {  	s0 =	sor.u32 s3, s0;
	s1 =	sshll.u32 s1, $0x11  }
0x33: {  	s0 =	sor.u32 s1, s0  }
0x34: {  	s0 =	sadd.s32 $0x8F2B, s0  }
0x35: {  	[sflag:s0] =	ssyncadd.remote.s32 $0x1  }
0x36: {  	_ =	sfence.sel $0xFFFF  }
0x37: {  	[dreg:$0x0] =	wrdreg $0xFFFFFFFF;
	(pc) =	sbr.abs _section_cstart, $3  }
0x38: {  	[dreg:$0x1] =	wrdreg $0xFFFFFFFF  }
0x39: {  	_ =	task.clear_ibuf [dreg:s7], $0x2FFFF;
	_ =	strace $0x9FFFFFFF  }
0x3a: {  	(tm) =	ssettm $0x7FFFFFFF  }
0x3b: {  	_ =	shalt  }
tec
execute0_lowered:
.L_overlay_start_1:
0x0: {  	(tag) =	ssettag $0x1  }
0x1: {  	s4 =	rddreg [dreg:$0x0]  }
0x2: {  	s2 =	rddreg [dreg:$0x1]  }
0x3: {  	s0 =	rddreg [dreg:$0x2];
	_ =	strace $0x8000004A  }
0x4: {  	s3 =	srdreg.scid;
	s1 =	stileid.u32;
	s6 =	simm.s32 $0x2  }
0x5: {  	s13 =	simm.s32 $0x0;
	p0 =	por $0x0, $0x0;
	s7 =	simm.s32 $0x20000  }
.Ltmp0:
0x6: {  	s14 =	simm.s32 $0x0;
	s9 =	simm.s32 $0x0;
	(pc) =	sbr.rel .LBB1_1-.Ltmp0, $4  }
0x7: {  	s10 =	simm.s32 $0x0;
	s11 =	simm.s32 $0x0;
	s5 =	sshll.u32 s3, $0x4  }
0x8: {  	s8 =	simm.s32 $0x0;
	s3 =	simm.s32 $0x1;
	s5 =	sand.u32 $0x10, s5  }
0x9: {  	s4 =	sadd.s32 $0xC00, s4;
	[sflag:s3] =	ssyncpa.u1 $0x0;
	s5 =	sor.u32 s1, s5  }
0xa: {  	[sflag:s6] =	ssyncpa.u1 $0x0;
	s6 =	simm.s32 $0x80;
	s12 =	smov.u32 s5  }
.LBB1_5:
0xb: {  	p1 =	slt.u32 s8, $0x2  }
0xc: {  	p2 =	sgt.s32 @!p1 s14, $0x1F  }
0xd: {  	s15 =	smov.u32 s14;
	s16 =	sshra.s32 @!p1 s14, $0x1F;
	p2 =	por !p2, p1  }
0xe: {  	s17 =	sshra.s32 @!p1 s13, $0x1F;
	s15 =	simm.s32 @p2 $0x1F;
	p2 =	sgt.s32 @!p1 s13, $0x1F  }
0xf: {  	s14 =	sand.u32 @!p1 s16, s14;
	s16 =	smov.u32 s13;
	p2 =	por !p2, p1  }
0x10: {  	s13 =	sand.u32 @!p1 s17, s13;
	s14 =	ssub.s32 @!p1 s15, s14;
	s16 =	simm.s32 @p2 $0x1F  }
0x11: {  	s17 =	smov.u32 s12;
	s15 =	sadd.s32 @!p1 $0xFFFFFFE1, s14;
	s13 =	ssub.s32 @!p1 s16, s13  }
0x12: {  	s14 =	ssub.s32 @!p1 $0x20, s14;
	p2 =	sgt.s32 @!p1 s15, $0x0;
	s13 =	sadd.s32 @!p1 $0xFFFFFFE1, s13  }
0x13: {  	s14 =	smul.u32 @!p1 $0x60, s14;
	p3 =	sgt.s32 @!p1 s13, $0x0;
	s13 =	sshll.u32 @!p1 s13, $0x7  }
0x14: {  	p2 =	por !p2, p1;
	s13 =	ssub.s32 @!p1 $0x80, s13;
	p3 =	por !p3, p1  }
0x15: {  	s15 =	sadd.s32 $0x1, s11;
	s14 =	simm.s32 @!p2 $0x0;
	s13 =	simm.s32 @!p3 $0x0  }
0x16: {  	p2 =	sgt.s32 s15, $0x1F;
	s13 =	smul.u32 @!p1 s14, s13;
	s14 =	sadd.s32 $0x20, s12  }
0x17: {  	s17 =	smov.u32 @p2 s14  }
0x18: {  	s8 =	sadd.s32 $0x1, s8;
	s15 =	simm.s32 @p2 $0x0;
	p2 =	sgt.s32 s17, $0x1F  }
0x19: {  	s17 =	smov.u32 @p2 s5;
	p2 =	sne.s32 s8, $0x22  }
.Ltmp1:
0x1a: {  	p0 =	por !p0, !p0;
	(pc) =	sbr.rel @!p2 .LBB1_6-.Ltmp1, $4  }
0x1b: {  	s16 =	simm.s32 @!p1 $0x2;
	s14 =	smov.u32 s10;
	s13 =	sand.u32 @!p1 $0x3FFFF000, s13  }
0x1c: {  	s10 =	smov.u32 s12;
	_ =	swait.ge @!p1 [sflag:s16], s13;
	s18 =	ssub.s32 @!p1 $0x0, s13  }
0x1d: {  	s13 =	smov.u32 s9;
	s9 =	smov.u32 s11;
	[sflag:s16] =	ssyncset.done @!p1 $0x0  }
0x1e: {  	s11 =	smov.u32 s15;
	s12 =	smov.u32 s17;
	[sflag:s16] =	ssyncadd.s32 @!p1 s18  }
.LBB1_1:
0x1f: {  	p1 =	sgt.u32 s8, $0x1F  }
0x20: {  	s15 =	sxor.u32 @!p1 $0xFFFFFFFF, s8;
	s16 =	sshll.u32 @!p1 s12, $0x10  }
0x21: {  	s17 =	sshll.u32 @!p1 s11, $0xB;
	s15 =	sshll.u32 @!p1 s15, $0xE;
	s16 =	sadd.s32 @!p1 s4, s16  }
0x22: {  	s15 =	sand.u32 @!p1 $0x4000, s15;
	s16 =	sadd.s32 @!p1 s17, s16;
	s17 =	simm.s32 @!p1 $0x0  }
0x23: {  	[tilespmem:s15], [sflag:$0x1] =	stream.linear.gather @!p1 [hbm4b:s16+s17], $0x4000, $0x38;
	[tilespmem:$0x10100] =	vst v63  }
0x24: {  	p1 =	seq.s32 s8, $0x0  }
0x25: {  	p2 =	seq.s32 @!p1 s8, $0x21  }
0x26: {  	p1 =	por p1, p2  }
.Ltmp2:
0x27: {  	_ = 	snop;
	(pc) =	sbr.rel @p1 .LBB1_5-.Ltmp2, $1  }
0x28: {  	_ =	sdelay $0x3  }
0x29: {  	s15 =	simm.s32 $0x1  }
0x2a: {  	_ =	swait.ge [sflag:s3], $0x4000;
	s15 =	simm.s32 @!p0 $0x0  }
0x2b: {  	[sflag:s3] =	ssyncset.done $0x0;
	s16 =	sshll.u32 s15, $0xE  }
0x2c: {  	[sflag:s3] =	ssyncadd.s32 $0xFFFFC000;
	s16 =	sor.u32 $0x40, s16  }
0x2d: {  	s15 =	smul.u32 $0x10200, s15;
	v0 =	vld [tilespmem:s16+$0x30]  }
0x2e: {  	v1 =	vld [tilespmem:s16+$0xFFFFFFD0]  }
0x2f: {  	s15 =	sshrl.u32 s15, $0x2;
	v5 =	vld [tilespmem:s16+$0xFFFFFFE0]  }
0x30: {  	v6 =	vld [tilespmem:s16+$0xFFFFFFF0];
	s18 =	sor.u32 $0x8000, s15  }
0x31: {  	s31 =	sand.u32 $0x1, s8;
	v4 =	vld [tilespmem:s16+$0x0];
	s17 =	sadd.s32 $0x0, s18  }
0x32: {  	v3 =	vld [tilespmem:s16+$0x10];
	s15 =	smul.u32 $0x10200, s31;
	[tilespmem:s17+$0x3870 ss:$0x81] =	vst.msk $0xffff, v0  }
0x33: {  	v2 =	vld [tilespmem:s16+$0x20];
	[tilespmem:s17+$0x810 ss:$0x81] =	vst.msk $0xffff, v1  }
0x34: {  	s15 =	sshrl.u32 s15, $0x2;
	v1 =	vld [tilespmem:s16+$0xFFFFFFC0];
	[tilespmem:s17+$0x1020 ss:$0x81] =	vst.msk $0xffff, v5;
	s16 =	sadd.s32 $0x80, s16  }
0x35: {  	s19 =	simm.s32 $0x4;
	s20 =	simm.s32 $0x8;
	s15 =	sor.u32 $0x8000, s15;
	[tilespmem:s17+$0x1830 ss:$0x81] =	vst.msk $0xffff, v6;
	v0 =	vld [tilespmem:s16+$0x30]  }
.LBB1_3:
0x36: {  	p1 =	sne.s32 s20, $0x1FC;
	v5 =	vld [tilespmem:s16+$0xFFFFFFD0];
	[tilespmem:s17+$0x2040 ss:$0x81] =	vst.msk $0xffff, v4  }
0x37: {  	v6 =	vld [tilespmem:s16+$0xFFFFFFE0];
	[tilespmem:s17+$0x2850 ss:$0x81] =	vst.msk $0xffff, v3  }
0x38: {  	s21 =	sshra.s32 s19, $0x2;
	s19 =	smov.u32 s20;
	v7 =	vld [tilespmem:s16+$0xFFFFFFF0];
	[tilespmem:s17+$0x3060 ss:$0x81] =	vst.msk $0xffff, v2  }
.Ltmp3:
0x39: {  	v4 =	vld [tilespmem:s16+$0x0];
	[tilespmem:s17+$0x0 ss:$0x81] =	vst.msk $0xffff, v1;
	s17 =	sadd.s32 s21, s18;
	(pc) =	sbr.rel @p1 .LBB1_3-.Ltmp3, $4  }
0x3a: {  	v3 =	vld [tilespmem:s16+$0x10];
	[tilespmem:s17+$0x3870 ss:$0x81] =	vst.msk $0xffff, v0  }
0x3b: {  	[tilespmem:s17+$0x810 ss:$0x81] =	vst.msk $0xffff, v5;
	v2 =	vld [tilespmem:s16+$0x20]  }
0x3c: {  	v1 =	vld [tilespmem:s16+$0xFFFFFFC0];
	[tilespmem:s17+$0x1020 ss:$0x81] =	vst.msk $0xffff, v6;
	s16 =	sadd.s32 $0x80, s16  }
0x3d: {  	s20 =	sadd.s32 $0x4, s20;
	v0 =	vld [tilespmem:s16+$0x30];
	[tilespmem:s17+$0x1830 ss:$0x81] =	vst.msk $0xffff, v7  }
0x3e: {  	v5 =	vld [tilespmem:s16+$0xFFFFFFD0];
	[tilespmem:s17+$0x2040 ss:$0x81] =	vst.msk $0xffff, v4;
	s19 =	sshra.s32 s19, $0x2;
	p1 =	sgt.s32 s10, $0x1F;
	s20 =	smov.u32 s10  }
0x3f: {  	v58 =	vld [tilespmem:s16+$0xFFFFFFE0];
	s25 =	sshra.s32 s10, $0x1F;
	s21 =	smov.u32 s9;
	s22 =	sshra.s32 s9, $0x1F;
	[tilespmem:s17+$0x2850 ss:$0x81] =	vst.msk $0xffff, v3  }
0x40: {  	v59 =	vld [tilespmem:s16+$0xFFFFFFF0];
	s18 =	sadd.s32 s19, s18;
	s20 =	simm.s32 @!p1 $0x1F;
	p1 =	sgt.s32 s9, $0x1F;
	[tilespmem:s17+$0x3060 ss:$0x81] =	vst.msk $0xffff, v2  }
0x41: {  	v60 =	vld [tilespmem:s16+$0x0];
	s26 =	sand.u32 s25, s10;
	s27 =	sand.u32 s22, s9;
	s21 =	simm.s32 @!p1 $0x1F;
	[tilespmem:s17+$0x0 ss:$0x81] =	vst.msk $0xffff, v1  }
0x42: {  	v61 =	vld [tilespmem:s16+$0x10];
	s17 =	ssub.s32 s20, s26;
	s19 =	ssub.s32 s21, s27;
	[tilespmem:s18+$0x3870 ss:$0x81] =	vst.msk $0xffff, v0  }
0x43: {  	v62 =	vld [tilespmem:s16+$0x20];
	s20 =	ssub.s32 $0x20, s17;
	s19 =	sadd.s32 $0xFFFFFFE1, s19;
	[tilespmem:s18+$0x810 ss:$0x81] =	vst.msk $0xffff, v5  }
0x44: {  	v63 =	vld [tilespmem:s16+$0xFFFFFFC0];
	s28 =	sadd.s32 $0xFFFFFFE1, s17;
	[tilespmem:s18+$0x1020 ss:$0x81] =	vst.msk $0xffff, v58;
	s17 =	smul.u32 $0x60, s20;
	s29 =	sshll.u32 s19, $0x7  }
0x45: {  	p1 =	sgt.s32 s28, $0x0;
	[tilespmem:s18+$0x1830 ss:$0x81] =	vst.msk $0xffff, v59;
	p2 =	sgt.s32 s19, $0x0;
	s16 =	ssub.s32 $0x80, s29  }
.Ltmp4:
0x46: {  	[tilespmem:s18+$0x2040 ss:$0x81] =	vst.msk $0xffff, v60;
	s17 =	simm.s32 @p1 $0x0;
	s16 =	simm.s32 @p2 $0x0;
	(pc) =	sbr.rel .LBB1_5-.Ltmp4, $4  }
0x47: {  	s30 =	sshll.u32 s10, $0x9;
	s31 =	sshll.u32 s9, $0x4;
	[tilespmem:s18+$0x2850 ss:$0x81] =	vst.msk $0xffff, v61;
	s16 =	smul.u32 s17, s16  }
0x48: {  	[tilespmem:s18+$0x3060 ss:$0x81] =	vst.msk $0xffff, v62;
	s19 =	sand.u32 $0x1F0, s31;
	s17 =	sadd.s32 s2, s30  }
0x49: {  	[tilespmem:s18+$0x0 ss:$0x81] =	vst.msk $0xffff, v63;
	s17 =	sadd.s32 s19, s17;
	s16 =	sand.u32 $0x3FFFF000, s16  }
0x4a: {  	[hbm4b:s17+s6] =	stream.strided.scatter [tilespmem:s15], [sflag:$0x2], s16, s7, s6, $0x20;
	[tilespmem:$0x10100] =	vst v63  }
.LBB1_6:
0x4b: {  	_ =	sfence.sel $0x180000  }
0x4c: {  	s2 =	simm.s32 $0x1;
	[bflag:$0x0] =	sbarrier.arrive $0xFFFF  }
0x4d: {  	s31 =	simm.s32 $0x2;
	[sflag:s2] =	ssyncpa.u1 $0x1  }
0x4e: {  	[sflag:s31] =	ssyncpa.u1 $0x1  }
0x4f: {  	p0 =	sne.s32 s1, $0x0;
	_ =	strace $0x9000004A  }
0x50: {  	s0 =	sadd.s32 @!p0 $0x100000, s0;
	[bflag:$0x2] =	sbarrier.arrive $0xFFFF  }
0x51: {  	[sflag:s0] =	ssyncadd.tile.s32 @!p0 $0x1;
	_ =	shalt  }
.Lfunc_end1:
_tile_overlayer_lowered:
.L_overlay_start_2:
0x52: {  	(tag) =	ssettag $0x2  }
0x53: {  	s0 =	rddreg [dreg:$0x0];
	s2 =	stileid.u32  }
0x54: {  	s1 =	rddreg [dreg:$0x1];
	p0 =	sne.s32 s2, $0x0  }
0x55: {  	s3 =	rddreg [dreg:$0x2];
	[bflag:$0x3] =	sbarrier.arrive $0xFFFF;
	s2 =	simm.s32 @!p0 $0x1C01  }
0x56: {  	[timem:s3], [sflag:s2] =	dma.local @!p0 [hbm:s0], s1  }
0x57: {  	s0 =	simm.s32 @!p0 $0x1  }
0x58: {  	_ =	swait.ge @!p0 [sflag:s0], s1  }
0x59: {  	s1 =	ssub.s32 @!p0 $0x0, s1;
	[sflag:s0] =	ssyncset.done @!p0 $0x0  }
0x5a: {  	[sflag:s0] =	ssyncadd.s32 @!p0 s1  }
0x5b: {  	[bflag:$0x3] =	sbarrier.arrive $0xFFFF  }
0x5c: {  	_ =	shalt  }

</sc_bundles>
